<compile_context>
chip_gen: v7x
topology: tpu7x:2x2x1
jax: 0.10.2.dev20260603
libtpu: 0.0.44.dev20260713+nightly
codegen_flags: <defaults>
</compile_context>

<pallas_src>
import functools

import jax
import jax.numpy as jnp
from jax import lax
from jax.experimental import pallas as pl
from jax.experimental.pallas import tpu as pltpu
from jax.experimental.pallas import tpu_sc as plsc

B = 16384
D = 64
H1 = 128
H2 = 64
V = 1000000
VO = 1048576

NC = 2
NS = 16
NW = NC * NS
BPW = B // NW
CH = 128
NJ = BPW // CH
NR = 2

CW = 16384
RG = VO // CW


def _repack_body(ut_ref, it_ref, out_ref):
    xs = jnp.concatenate([ut_ref[...], it_ref[...]], axis=0)
    out_ref[...] = jnp.transpose(xs, (1, 0))


def _repack(uT, iT):
    clamped = lambda i: (0, jnp.minimum(i, (V - 1) // CW))
    return pl.pallas_call(
        _repack_body,
        grid=(RG,),
        in_specs=[pl.BlockSpec((D, CW), clamped),
                  pl.BlockSpec((D, CW), clamped)],
        out_specs=pl.BlockSpec((CW, 128), lambda i: (i, 0)),
        out_shape=jax.ShapeDtypeStruct((VO, 128), jnp.float32),
    )(uT, iT)


@functools.lru_cache(maxsize=None)
def _build_sc_gather():
    mesh = plsc.VectorSubcoreMesh(core_axis_name="c", subcore_axis_name="s")

    @functools.partial(
        pl.kernel,
        mesh=mesh,
        out_type=[
            jax.ShapeDtypeStruct((B, 128), jnp.float32),
            jax.ShapeDtypeStruct((B, 128), jnp.float32),
        ],
        scratch_types=[
            pltpu.VMEM((BPW,), jnp.int32),
            pltpu.VMEM((BPW,), jnp.int32),
            pltpu.VMEM((BPW,), jnp.int32),
            pltpu.VMEM((BPW,), jnp.int32),
            pltpu.VMEM((NR * CH, 128), jnp.float32),
            pltpu.VMEM((NR * CH, 128), jnp.float32),
            pltpu.SemaphoreType.DMA,
            pltpu.SemaphoreType.DMA,
        ],
    )
    def sc_gather(uid_hbm, iid_hbm, pk_hbm,
                  ue_out, ie_out,
                  uid_v, iid_v, uq_v, iq_v, ustg_v, istg_v,
                  sem_u, sem_i):
        wid = lax.axis_index("s") * NC + lax.axis_index("c")
        base = wid * BPW
        pltpu.sync_copy(uid_hbm.at[pl.ds(base, BPW)], uid_v)
        pltpu.sync_copy(iid_hbm.at[pl.ds(base, BPW)], iid_v)

        for r in range(NJ // NR):
            for p in range(NR):
                c = r * NR + p
                isl = pl.ds(c * CH, CH)
                dsl = pl.ds(p * CH, CH)
                pltpu.async_copy(pk_hbm.at[uid_v.at[isl]], ustg_v.at[dsl], sem_u)
                pltpu.async_copy(pk_hbm.at[iid_v.at[isl]], istg_v.at[dsl], sem_i)
            pltpu.make_async_copy(
                pk_hbm.at[pl.ds(0, NR * CH)], ustg_v, sem_u).wait()
            pltpu.make_async_copy(
                pk_hbm.at[pl.ds(0, NR * CH)], istg_v, sem_i).wait()
            osl = pl.ds(base + r * NR * CH, NR * CH)
            pltpu.sync_copy(ustg_v, ue_out.at[osl])
            pltpu.sync_copy(istg_v, ie_out.at[osl])

    return sc_gather


@functools.lru_cache(maxsize=None)
def _build_sc_bias():
    mesh = plsc.VectorSubcoreMesh(core_axis_name="c", subcore_axis_name="s")

    @functools.partial(
        pl.kernel,
        mesh=mesh,
        compiler_params=pltpu.CompilerParams(use_tc_tiling_on_sc=False),
        out_type=[
            jax.ShapeDtypeStruct((B,), jnp.float32),
            jax.ShapeDtypeStruct((B,), jnp.float32),
        ],
        scratch_types=[
            pltpu.VMEM((BPW,), jnp.int32),
            pltpu.VMEM((BPW,), jnp.int32),
            pltpu.VMEM((BPW,), jnp.float32),
            pltpu.VMEM((BPW,), jnp.float32),
            pltpu.SemaphoreType.DMA,
            pltpu.SemaphoreType.DMA,
        ],
    )
    def sc_bias(uid_hbm, iid_hbm, ubt_hbm, ibt_hbm,
                ub_out, ib_out,
                uid_v, iid_v, ub_v, ib_v, sem_ub, sem_ib):
        wid = lax.axis_index("s") * NC + lax.axis_index("c")
        base = wid * BPW
        pltpu.sync_copy(uid_hbm.at[pl.ds(base, BPW)], uid_v)
        pltpu.sync_copy(iid_hbm.at[pl.ds(base, BPW)], iid_v)
        for j in range(NJ):
            sl = pl.ds(j * CH, CH)
            pltpu.async_copy(ubt_hbm.at[uid_v.at[sl]], ub_v.at[sl], sem_ub)
            pltpu.async_copy(ibt_hbm.at[iid_v.at[sl]], ib_v.at[sl], sem_ib)
        pltpu.make_async_copy(ubt_hbm.at[pl.ds(0, BPW)], ub_v, sem_ub).wait()
        pltpu.make_async_copy(ibt_hbm.at[pl.ds(0, BPW)], ib_v, sem_ib).wait()
        pltpu.sync_copy(ub_v, ub_out.at[pl.ds(base, BPW)])
        pltpu.sync_copy(ib_v, ib_out.at[pl.ds(base, BPW)])

    return sc_bias


BLK = 8192


def _mlp_body(ue_ref, ie_ref, ub_ref, ib_ref,
              w1_ref, b1_ref, w2_ref, b2_ref, w3_ref, b3_ref, gb_ref,
              out_ref):
    ue = ue_ref[...][:, :D]
    ie = ie_ref[...][:, D:]
    w1 = w1_ref[...]
    h = jnp.dot(ue, w1[:D], preferred_element_type=jnp.float32)
    h = h + jnp.dot(ie, w1[D:], preferred_element_type=jnp.float32)
    h = jnp.maximum(h + b1_ref[...], 0.0)
    h2 = jnp.dot(h, w2_ref[...], preferred_element_type=jnp.float32)
    h2 = jnp.maximum(h2 + b2_ref[...], 0.0)
    mlp = jnp.sum(h2 * w3_ref[...], axis=1)
    mf = jnp.sum(ue * ie, axis=1)
    out_ref[...] = (mf + mlp + ub_ref[...] + ib_ref[...]
                    + b3_ref[0, 0] + gb_ref[0, 0])


def _mlp_call(ue2, ie2, ub, ib, w1, b1, w2, b2, w3, b3, gb):
    blk2 = lambda i: (i, 0)
    blk1 = lambda i: (i,)
    fix2 = lambda i: (0, 0)
    return pl.pallas_call(
        _mlp_body,
        grid=(B // BLK,),
        in_specs=[
            pl.BlockSpec((BLK, 128), blk2),
            pl.BlockSpec((BLK, 128), blk2),
            pl.BlockSpec((BLK,), blk1),
            pl.BlockSpec((BLK,), blk1),
            pl.BlockSpec((2 * D, H1), fix2),
            pl.BlockSpec((1, H1), fix2),
            pl.BlockSpec((H1, H2), fix2),
            pl.BlockSpec((1, H2), fix2),
            pl.BlockSpec((1, H2), fix2),
            pl.BlockSpec((1, 1), fix2),
            pl.BlockSpec((1, 1), fix2),
        ],
        out_specs=pl.BlockSpec((BLK,), blk1),
        out_shape=jax.ShapeDtypeStruct((B,), jnp.float32),
    )(ue2, ie2, ub, ib, w1, b1, w2, b2, w3, b3, gb)


def kernel(user_ids, item_ids, user_emb_table, item_emb_table,
           user_bias_table, item_bias_table, global_bias,
           W1, b1, W2, b2, W3, b3):
    uid = user_ids.astype(jnp.int32)
    iid = item_ids.astype(jnp.int32)
    pk = _repack(user_emb_table.T, item_emb_table.T)
    ue2, ie2 = _build_sc_gather()(uid, iid, pk)
    ub, ib = _build_sc_bias()(
        uid, iid, user_bias_table.reshape(V), item_bias_table.reshape(V))
    return _mlp_call(
        ue2, ie2, ub, ib,
        W1, b1.reshape(1, H1), W2, b2.reshape(1, H2), W3.reshape(1, H2),
        b3.reshape(1, 1), global_bias.reshape(1, 1),
    )

# --- scband reference (transcript-rebuilt; emitter-appended) ---
"""Pipeline reference for scband-neural-matrix-factorization-39711267619468 (READ-ONLY COPY).

The authoritative reference and input builder live on the scoring server;
editing this copy changes nothing except your own understanding.
"""

import jax, jax.numpy as jnp
import numpy as np

B = 16384
NUM_USERS = 1000000
NUM_ITEMS = 1000000
D = 64
H1 = 128
H2 = 64


def setup_inputs(seed: int = 0) -> dict:
    key = jax.random.key(seed)
    ks = jax.random.split(key, 14)
    user_ids = jax.random.randint(ks[0], (B,), 0, NUM_USERS, dtype=jnp.int64 if jax.config.read('jax_enable_x64') else jnp.int32)
    item_ids = jax.random.randint(ks[1], (B,), 0, NUM_ITEMS, dtype=jnp.int64 if jax.config.read('jax_enable_x64') else jnp.int32)
    user_emb_table = jax.random.normal(ks[2], (NUM_USERS, D), dtype=jnp.float32) * 0.1
    item_emb_table = jax.random.normal(ks[3], (NUM_ITEMS, D), dtype=jnp.float32) * 0.1
    user_bias_table = jax.random.normal(ks[4], (NUM_USERS, 1), dtype=jnp.float32) * 0.01
    item_bias_table = jax.random.normal(ks[5], (NUM_ITEMS, 1), dtype=jnp.float32) * 0.01
    global_bias = jnp.zeros((1,), dtype=jnp.float32)
    # MLP params (PyTorch Linear default-ish init scale)
    W1 = jax.random.normal(ks[6], (2 * D, H1), dtype=jnp.float32) * (1.0 / np.sqrt(2 * D))
    b1 = jax.random.normal(ks[7], (H1,), dtype=jnp.float32) * (1.0 / np.sqrt(2 * D))
    W2 = jax.random.normal(ks[8], (H1, H2), dtype=jnp.float32) * (1.0 / np.sqrt(H1))
    b2 = jax.random.normal(ks[9], (H2,), dtype=jnp.float32) * (1.0 / np.sqrt(H1))
    W3 = jax.random.normal(ks[10], (H2, 1), dtype=jnp.float32) * (1.0 / np.sqrt(H2))
    b3 = jax.random.normal(ks[11], (1,), dtype=jnp.float32) * (1.0 / np.sqrt(H2))
    return {
        'user_ids': user_ids,
        'item_ids': item_ids,
        'user_emb_table': user_emb_table,
        'item_emb_table': item_emb_table,
        'user_bias_table': user_bias_table,
        'item_bias_table': item_bias_table,
        'global_bias': global_bias,
        'W1': W1, 'b1': b1, 'W2': W2, 'b2': b2, 'W3': W3, 'b3': b3,
    }


def reference(user_ids, item_ids, user_emb_table, item_emb_table,
              user_bias_table, item_bias_table, global_bias,
              W1, b1, W2, b2, W3, b3):
    # Embedding lookups (SparseCore gathers)
    user_emb = jnp.take(user_emb_table, user_ids, axis=0)   # [B, D]
    item_emb = jnp.take(item_emb_table, item_ids, axis=0)   # [B, D]
    # Matrix-factorization branch
    mf_output = jnp.sum(user_emb * item_emb, axis=1, keepdims=True)  # [B, 1]
    # MLP branch (Dropout is identity in eval mode)
    mlp_input = jnp.concatenate([user_emb, item_emb], axis=1)        # [B, 2D]
    h = jax.nn.relu(mlp_input @ W1 + b1)
    h = jax.nn.relu(h @ W2 + b2)
    mlp_output = h @ W3 + b3                                          # [B, 1]
    # Bias terms
    user_bias = jnp.take(user_bias_table, user_ids, axis=0)          # [B, 1]
    item_bias = jnp.take(item_bias_table, item_ids, axis=0)          # [B, 1]
    prediction = mf_output + mlp_output + user_bias + item_bias + global_bias
    return jnp.squeeze(prediction)  # [B]

if __name__ == "__main__":
    import jax
    _d = setup_inputs()
    print(jax.jit(kernel)(*tuple(_d.values())))

</pallas_src>

<mosaic_0001>
#map = affine_map<(d0, d1) -> (0)>
#map1 = affine_map<(d0, d1) -> (0, 0)>
module attributes {stable_mosaic.version = 14 : i64} {
  func.func @sc_gather(%arg0: i32, %arg1: i32, %arg2: memref<16384xi32, #tpu.memory_space<hbm>>, %arg3: memref<16384xi32, #tpu.memory_space<hbm>>, %arg4: memref<1048576x128xf32, #tpu.memory_space<hbm>>, %arg5: memref<16384x128xf32, #tpu.memory_space<hbm>>, %arg6: memref<16384x128xf32, #tpu.memory_space<hbm>>, %arg7: memref<512xi32, #tpu.memory_space<vmem>>, %arg8: memref<512xi32, #tpu.memory_space<vmem>>, %arg9: memref<512xi32, #tpu.memory_space<vmem>>, %arg10: memref<512xi32, #tpu.memory_space<vmem>>, %arg11: memref<256x128xf32, #tpu.memory_space<vmem>>, %arg12: memref<256x128xf32, #tpu.memory_space<vmem>>, %arg13: memref<!tpu.dma_semaphore, #tpu.memory_space<semaphore_mem>>, %arg14: memref<!tpu.dma_semaphore, #tpu.memory_space<semaphore_mem>>) attributes {dimension_semantics = [#tpu.dimension_semantics<core_parallel>, #tpu.dimension_semantics<subcore_parallel>], iteration_bounds = array<i64: 2, 16>, scalar_prefetch = 0 : i64, scratch_operands = 8 : i64, tpu.core_type = #tpu.core_type<sc_vector_subcore>, window_params = [{transform_indices = #map}, {transform_indices = #map}, {transform_indices = #map1}, {transform_indices = #map1}, {transform_indices = #map1}]} {
    %mul3A = arith.constant 2 : i32
    %mul3A_0 = arith.muli %arg1, %mul3A : i32
    %add3A = arith.addi %mul3A_0, %arg0 : i32
    %mul3A_1 = arith.constant 512 : i32
    %mul3A_2 = arith.muli %add3A, %mul3A_1 : i32
    "tpu.region"() ({
      %run_scoped3A = tpu.sem_alloc : memref<!tpu.dma_semaphore, #tpu.memory_space<semaphore_mem>>
      %dma_start3A_93 = tpu.memref_slice %arg2[%mul3A_2] : memref<16384xi32, #tpu.memory_space<hbm>> -> memref<512xi32, #tpu.memory_space<hbm>>
      %dma_start3A_94 = tpu.memref_slice %arg2[%mul3A_2] : memref<16384xi32, #tpu.memory_space<hbm>> -> memref<512xi32, #tpu.memory_space<hbm>>
      tpu.enqueue_dma source(%dma_start3A_94 : memref<512xi32, #tpu.memory_space<hbm>>) target(%arg7 : memref<512xi32, #tpu.memory_space<vmem>>) target_semaphore(%run_scoped3A : memref<!tpu.dma_semaphore, #tpu.memory_space<semaphore_mem>>)
      %dma_wait3A_95 = tpu.memref_slice %arg2[%mul3A_2] : memref<16384xi32, #tpu.memory_space<hbm>> -> memref<512xi32, #tpu.memory_space<hbm>>
      %dma_wait3A_96 = tpu.memref_slice %arg2[%mul3A_2] : memref<16384xi32, #tpu.memory_space<hbm>> -> memref<512xi32, #tpu.memory_space<hbm>>
      tpu.wait_dma2 semaphore(%run_scoped3A : memref<!tpu.dma_semaphore, #tpu.memory_space<semaphore_mem>>) src(%dma_wait3A_96 : memref<512xi32, #tpu.memory_space<hbm>>) dst(%arg7 : memref<512xi32, #tpu.memory_space<vmem>>)
      tpu.yield
    }) : () -> ()
    "tpu.region"() ({
      %run_scoped3A = tpu.sem_alloc : memref<!tpu.dma_semaphore, #tpu.memory_space<semaphore_mem>>
      %dma_start3A_93 = tpu.memref_slice %arg3[%mul3A_2] : memref<16384xi32, #tpu.memory_space<hbm>> -> memref<512xi32, #tpu.memory_space<hbm>>
      %dma_start3A_94 = tpu.memref_slice %arg3[%mul3A_2] : memref<16384xi32, #tpu.memory_space<hbm>> -> memref<512xi32, #tpu.memory_space<hbm>>
      tpu.enqueue_dma source(%dma_start3A_94 : memref<512xi32, #tpu.memory_space<hbm>>) target(%arg8 : memref<512xi32, #tpu.memory_space<vmem>>) target_semaphore(%run_scoped3A : memref<!tpu.dma_semaphore, #tpu.memory_space<semaphore_mem>>)
      %dma_wait3A_95 = tpu.memref_slice %arg3[%mul3A_2] : memref<16384xi32, #tpu.memory_space<hbm>> -> memref<512xi32, #tpu.memory_space<hbm>>
      %dma_wait3A_96 = tpu.memref_slice %arg3[%mul3A_2] : memref<16384xi32, #tpu.memory_space<hbm>> -> memref<512xi32, #tpu.memory_space<hbm>>
      tpu.wait_dma2 semaphore(%run_scoped3A : memref<!tpu.dma_semaphore, #tpu.memory_space<semaphore_mem>>) src(%dma_wait3A_96 : memref<512xi32, #tpu.memory_space<hbm>>) dst(%arg8 : memref<512xi32, #tpu.memory_space<vmem>>)
      tpu.yield
    }) : () -> ()
    %dma_start3A = arith.constant 0 : i32
    %dma_start3A_3 = arith.constant 0 : i32
    %dma_start3A_4 = tpu.memref_slice %arg11[%dma_start3A, %dma_start3A_3] : memref<256x128xf32, #tpu.memory_space<vmem>> -> memref<128x128xf32, #tpu.memory_space<vmem>>
    %dma_start3A_5 = arith.constant 0 : i32
    %dma_start3A_6 = tpu.memref_slice %arg7[%dma_start3A_5] : memref<512xi32, #tpu.memory_space<vmem>> -> memref<128xi32, #tpu.memory_space<vmem>>
    %dma_start3A_7 = arith.constant 0 : i32
    %dma_start3A_8 = arith.constant 0 : i32
    %dma_start3A_9 = tpu.memref_slice %arg4[%dma_start3A_7, %dma_start3A_8] : memref<1048576x128xf32, #tpu.memory_space<hbm>> -> memref<1048576x128xf32, #tpu.memory_space<hbm>>
    tpu.enqueue_indirect_dma source(%dma_start3A_9 : memref<1048576x128xf32, #tpu.memory_space<hbm>>) target(%dma_start3A_4 : memref<128x128xf32, #tpu.memory_space<vmem>>) offsets(%dma_start3A_6 : memref<128xi32, #tpu.memory_space<vmem>>) semaphore(%arg13 : memref<!tpu.dma_semaphore, #tpu.memory_space<semaphore_mem>>)
    %dma_start3A_10 = arith.constant 0 : i32
    %dma_start3A_11 = arith.constant 0 : i32
    %dma_start3A_12 = tpu.memref_slice %arg12[%dma_start3A_10, %dma_start3A_11] : memref<256x128xf32, #tpu.memory_space<vmem>> -> memref<128x128xf32, #tpu.memory_space<vmem>>
    %dma_start3A_13 = arith.constant 0 : i32
    %dma_start3A_14 = tpu.memref_slice %arg8[%dma_start3A_13] : memref<512xi32, #tpu.memory_space<vmem>> -> memref<128xi32, #tpu.memory_space<vmem>>
    %dma_start3A_15 = arith.constant 0 : i32
    %dma_start3A_16 = arith.constant 0 : i32
    %dma_start3A_17 = tpu.memref_slice %arg4[%dma_start3A_15, %dma_start3A_16] : memref<1048576x128xf32, #tpu.memory_space<hbm>> -> memref<1048576x128xf32, #tpu.memory_space<hbm>>
    tpu.enqueue_indirect_dma source(%dma_start3A_17 : memref<1048576x128xf32, #tpu.memory_space<hbm>>) target(%dma_start3A_12 : memref<128x128xf32, #tpu.memory_space<vmem>>) offsets(%dma_start3A_14 : memref<128xi32, #tpu.memory_space<vmem>>) semaphore(%arg14 : memref<!tpu.dma_semaphore, #tpu.memory_space<semaphore_mem>>)
    %dma_start3A_18 = arith.constant 128 : i32
    %dma_start3A_19 = arith.constant 0 : i32
    %dma_start3A_20 = tpu.memref_slice %arg11[%dma_start3A_18, %dma_start3A_19] : memref<256x128xf32, #tpu.memory_space<vmem>> -> memref<128x128xf32, #tpu.memory_space<vmem>>
    %dma_start3A_21 = arith.constant 128 : i32
    %dma_start3A_22 = tpu.memref_slice %arg7[%dma_start3A_21] : memref<512xi32, #tpu.memory_space<vmem>> -> memref<128xi32, #tpu.memory_space<vmem>>
    %dma_start3A_23 = arith.constant 0 : i32
    %dma_start3A_24 = arith.constant 0 : i32
    %dma_start3A_25 = tpu.memref_slice %arg4[%dma_start3A_23, %dma_start3A_24] : memref<1048576x128xf32, #tpu.memory_space<hbm>> -> memref<1048576x128xf32, #tpu.memory_space<hbm>>
    tpu.enqueue_indirect_dma source(%dma_start3A_25 : memref<1048576x128xf32, #tpu.memory_space<hbm>>) target(%dma_start3A_20 : memref<128x128xf32, #tpu.memory_space<vmem>>) offsets(%dma_start3A_22 : memref<128xi32, #tpu.memory_space<vmem>>) semaphore(%arg13 : memref<!tpu.dma_semaphore, #tpu.memory_space<semaphore_mem>>)
    %dma_start3A_26 = arith.constant 128 : i32
    %dma_start3A_27 = arith.constant 0 : i32
    %dma_start3A_28 = tpu.memref_slice %arg12[%dma_start3A_26, %dma_start3A_27] : memref<256x128xf32, #tpu.memory_space<vmem>> -> memref<128x128xf32, #tpu.memory_space<vmem>>
    %dma_start3A_29 = arith.constant 128 : i32
    %dma_start3A_30 = tpu.memref_slice %arg8[%dma_start3A_29] : memref<512xi32, #tpu.memory_space<vmem>> -> memref<128xi32, #tpu.memory_space<vmem>>
    %dma_start3A_31 = arith.constant 0 : i32
    %dma_start3A_32 = arith.constant 0 : i32
    %dma_start3A_33 = tpu.memref_slice %arg4[%dma_start3A_31, %dma_start3A_32] : memref<1048576x128xf32, #tpu.memory_space<hbm>> -> memref<1048576x128xf32, #tpu.memory_space<hbm>>
    tpu.enqueue_indirect_dma source(%dma_start3A_33 : memref<1048576x128xf32, #tpu.memory_space<hbm>>) target(%dma_start3A_28 : memref<128x128xf32, #tpu.memory_space<vmem>>) offsets(%dma_start3A_30 : memref<128xi32, #tpu.memory_space<vmem>>) semaphore(%arg14 : memref<!tpu.dma_semaphore, #tpu.memory_space<semaphore_mem>>)
    %dma_wait3A = arith.constant 0 : i32
    %dma_wait3A_34 = arith.constant 0 : i32
    %dma_wait3A_35 = tpu.memref_slice %arg4[%dma_wait3A, %dma_wait3A_34] : memref<1048576x128xf32, #tpu.memory_space<hbm>> -> memref<256x128xf32, #tpu.memory_space<hbm>>
    %dma_wait3A_36 = arith.constant 0 : i32
    %dma_wait3A_37 = arith.constant 0 : i32
    %dma_wait3A_38 = tpu.memref_slice %arg4[%dma_wait3A_36, %dma_wait3A_37] : memref<1048576x128xf32, #tpu.memory_space<hbm>> -> memref<256x128xf32, #tpu.memory_space<hbm>>
    tpu.wait_dma2 semaphore(%arg13 : memref<!tpu.dma_semaphore, #tpu.memory_space<semaphore_mem>>) src(%dma_wait3A_38 : memref<256x128xf32, #tpu.memory_space<hbm>>) dst(%arg11 : memref<256x128xf32, #tpu.memory_space<vmem>>)
    %dma_wait3A_39 = arith.constant 0 : i32
    %dma_wait3A_40 = arith.constant 0 : i32
    %dma_wait3A_41 = tpu.memref_slice %arg4[%dma_wait3A_39, %dma_wait3A_40] : memref<1048576x128xf32, #tpu.memory_space<hbm>> -> memref<256x128xf32, #tpu.memory_space<hbm>>
    %dma_wait3A_42 = arith.constant 0 : i32
    %dma_wait3A_43 = arith.constant 0 : i32
    %dma_wait3A_44 = tpu.memref_slice %arg4[%dma_wait3A_42, %dma_wait3A_43] : memref<1048576x128xf32, #tpu.memory_space<hbm>> -> memref<256x128xf32, #tpu.memory_space<hbm>>
    tpu.wait_dma2 semaphore(%arg14 : memref<!tpu.dma_semaphore, #tpu.memory_space<semaphore_mem>>) src(%dma_wait3A_44 : memref<256x128xf32, #tpu.memory_space<hbm>>) dst(%arg12 : memref<256x128xf32, #tpu.memory_space<vmem>>)
    %add3A_45 = arith.constant 0 : i32
    %add3A_46 = arith.addi %mul3A_2, %add3A_45 : i32
    "tpu.region"() ({
      %run_scoped3A = tpu.sem_alloc : memref<!tpu.dma_semaphore, #tpu.memory_space<semaphore_mem>>
      %dma_start3A_93 = arith.constant 0 : i32
      %dma_start3A_94 = tpu.memref_slice %arg5[%add3A_46, %dma_start3A_93] : memref<16384x128xf32, #tpu.memory_space<hbm>> -> memref<256x128xf32, #tpu.memory_space<hbm>>
      %dma_start3A_95 = arith.constant 0 : i32
      %dma_start3A_96 = tpu.memref_slice %arg5[%add3A_46, %dma_start3A_95] : memref<16384x128xf32, #tpu.memory_space<hbm>> -> memref<256x128xf32, #tpu.memory_space<hbm>>
      tpu.enqueue_dma source(%arg11 : memref<256x128xf32, #tpu.memory_space<vmem>>) target(%dma_start3A_96 : memref<256x128xf32, #tpu.memory_space<hbm>>) target_semaphore(%run_scoped3A : memref<!tpu.dma_semaphore, #tpu.memory_space<semaphore_mem>>)
      %dma_wait3A_97 = arith.constant 0 : i32
      %dma_wait3A_98 = tpu.memref_slice %arg5[%add3A_46, %dma_wait3A_97] : memref<16384x128xf32, #tpu.memory_space<hbm>> -> memref<256x128xf32, #tpu.memory_space<hbm>>
      %dma_wait3A_99 = arith.constant 0 : i32
      %dma_wait3A_100 = tpu.memref_slice %arg5[%add3A_46, %dma_wait3A_99] : memref<16384x128xf32, #tpu.memory_space<hbm>> -> memref<256x128xf32, #tpu.memory_space<hbm>>
      tpu.wait_dma2 semaphore(%run_scoped3A : memref<!tpu.dma_semaphore, #tpu.memory_space<semaphore_mem>>) src(%arg11 : memref<256x128xf32, #tpu.memory_space<vmem>>) dst(%dma_wait3A_100 : memref<256x128xf32, #tpu.memory_space<hbm>>)
      tpu.yield
    }) : () -> ()
    "tpu.region"() ({
      %run_scoped3A = tpu.sem_alloc : memref<!tpu.dma_semaphore, #tpu.memory_space<semaphore_mem>>
      %dma_start3A_93 = arith.constant 0 : i32
      %dma_start3A_94 = tpu.memref_slice %arg6[%add3A_46, %dma_start3A_93] : memref<16384x128xf32, #tpu.memory_space<hbm>> -> memref<256x128xf32, #tpu.memory_space<hbm>>
      %dma_start3A_95 = arith.constant 0 : i32
      %dma_start3A_96 = tpu.memref_slice %arg6[%add3A_46, %dma_start3A_95] : memref<16384x128xf32, #tpu.memory_space<hbm>> -> memref<256x128xf32, #tpu.memory_space<hbm>>
      tpu.enqueue_dma source(%arg12 : memref<256x128xf32, #tpu.memory_space<vmem>>) target(%dma_start3A_96 : memref<256x128xf32, #tpu.memory_space<hbm>>) target_semaphore(%run_scoped3A : memref<!tpu.dma_semaphore, #tpu.memory_space<semaphore_mem>>)
      %dma_wait3A_97 = arith.constant 0 : i32
      %dma_wait3A_98 = tpu.memref_slice %arg6[%add3A_46, %dma_wait3A_97] : memref<16384x128xf32, #tpu.memory_space<hbm>> -> memref<256x128xf32, #tpu.memory_space<hbm>>
      %dma_wait3A_99 = arith.constant 0 : i32
      %dma_wait3A_100 = tpu.memref_slice %arg6[%add3A_46, %dma_wait3A_99] : memref<16384x128xf32, #tpu.memory_space<hbm>> -> memref<256x128xf32, #tpu.memory_space<hbm>>
      tpu.wait_dma2 semaphore(%run_scoped3A : memref<!tpu.dma_semaphore, #tpu.memory_space<semaphore_mem>>) src(%arg12 : memref<256x128xf32, #tpu.memory_space<vmem>>) dst(%dma_wait3A_100 : memref<256x128xf32, #tpu.memory_space<hbm>>)
      tpu.yield
    }) : () -> ()
    %dma_start3A_47 = arith.constant 0 : i32
    %dma_start3A_48 = arith.constant 0 : i32
    %dma_start3A_49 = tpu.memref_slice %arg11[%dma_start3A_47, %dma_start3A_48] : memref<256x128xf32, #tpu.memory_space<vmem>> -> memref<128x128xf32, #tpu.memory_space<vmem>>
    %dma_start3A_50 = arith.constant 256 : i32
    %dma_start3A_51 = tpu.memref_slice %arg7[%dma_start3A_50] : memref<512xi32, #tpu.memory_space<vmem>> -> memref<128xi32, #tpu.memory_space<vmem>>
    %dma_start3A_52 = arith.constant 0 : i32
    %dma_start3A_53 = arith.constant 0 : i32
    %dma_start3A_54 = tpu.memref_slice %arg4[%dma_start3A_52, %dma_start3A_53] : memref<1048576x128xf32, #tpu.memory_space<hbm>> -> memref<1048576x128xf32, #tpu.memory_space<hbm>>
    tpu.enqueue_indirect_dma source(%dma_start3A_54 : memref<1048576x128xf32, #tpu.memory_space<hbm>>) target(%dma_start3A_49 : memref<128x128xf32, #tpu.memory_space<vmem>>) offsets(%dma_start3A_51 : memref<128xi32, #tpu.memory_space<vmem>>) semaphore(%arg13 : memref<!tpu.dma_semaphore, #tpu.memory_space<semaphore_mem>>)
    %dma_start3A_55 = arith.constant 0 : i32
    %dma_start3A_56 = arith.constant 0 : i32
    %dma_start3A_57 = tpu.memref_slice %arg12[%dma_start3A_55, %dma_start3A_56] : memref<256x128xf32, #tpu.memory_space<vmem>> -> memref<128x128xf32, #tpu.memory_space<vmem>>
    %dma_start3A_58 = arith.constant 256 : i32
    %dma_start3A_59 = tpu.memref_slice %arg8[%dma_start3A_58] : memref<512xi32, #tpu.memory_space<vmem>> -> memref<128xi32, #tpu.memory_space<vmem>>
    %dma_start3A_60 = arith.constant 0 : i32
    %dma_start3A_61 = arith.constant 0 : i32
    %dma_start3A_62 = tpu.memref_slice %arg4[%dma_start3A_60, %dma_start3A_61] : memref<1048576x128xf32, #tpu.memory_space<hbm>> -> memref<1048576x128xf32, #tpu.memory_space<hbm>>
    tpu.enqueue_indirect_dma source(%dma_start3A_62 : memref<1048576x128xf32, #tpu.memory_space<hbm>>) target(%dma_start3A_57 : memref<128x128xf32, #tpu.memory_space<vmem>>) offsets(%dma_start3A_59 : memref<128xi32, #tpu.memory_space<vmem>>) semaphore(%arg14 : memref<!tpu.dma_semaphore, #tpu.memory_space<semaphore_mem>>)
    %dma_start3A_63 = arith.constant 128 : i32
    %dma_start3A_64 = arith.constant 0 : i32
    %dma_start3A_65 = tpu.memref_slice %arg11[%dma_start3A_63, %dma_start3A_64] : memref<256x128xf32, #tpu.memory_space<vmem>> -> memref<128x128xf32, #tpu.memory_space<vmem>>
    %dma_start3A_66 = arith.constant 384 : i32
    %dma_start3A_67 = tpu.memref_slice %arg7[%dma_start3A_66] : memref<512xi32, #tpu.memory_space<vmem>> -> memref<128xi32, #tpu.memory_space<vmem>>
    %dma_start3A_68 = arith.constant 0 : i32
    %dma_start3A_69 = arith.constant 0 : i32
    %dma_start3A_70 = tpu.memref_slice %arg4[%dma_start3A_68, %dma_start3A_69] : memref<1048576x128xf32, #tpu.memory_space<hbm>> -> memref<1048576x128xf32, #tpu.memory_space<hbm>>
    tpu.enqueue_indirect_dma source(%dma_start3A_70 : memref<1048576x128xf32, #tpu.memory_space<hbm>>) target(%dma_start3A_65 : memref<128x128xf32, #tpu.memory_space<vmem>>) offsets(%dma_start3A_67 : memref<128xi32, #tpu.memory_space<vmem>>) semaphore(%arg13 : memref<!tpu.dma_semaphore, #tpu.memory_space<semaphore_mem>>)
    %dma_start3A_71 = arith.constant 128 : i32
    %dma_start3A_72 = arith.constant 0 : i32
    %dma_start3A_73 = tpu.memref_slice %arg12[%dma_start3A_71, %dma_start3A_72] : memref<256x128xf32, #tpu.memory_space<vmem>> -> memref<128x128xf32, #tpu.memory_space<vmem>>
    %dma_start3A_74 = arith.constant 384 : i32
    %dma_start3A_75 = tpu.memref_slice %arg8[%dma_start3A_74] : memref<512xi32, #tpu.memory_space<vmem>> -> memref<128xi32, #tpu.memory_space<vmem>>
    %dma_start3A_76 = arith.constant 0 : i32
    %dma_start3A_77 = arith.constant 0 : i32
    %dma_start3A_78 = tpu.memref_slice %arg4[%dma_start3A_76, %dma_start3A_77] : memref<1048576x128xf32, #tpu.memory_space<hbm>> -> memref<1048576x128xf32, #tpu.memory_space<hbm>>
    tpu.enqueue_indirect_dma source(%dma_start3A_78 : memref<1048576x128xf32, #tpu.memory_space<hbm>>) target(%dma_start3A_73 : memref<128x128xf32, #tpu.memory_space<vmem>>) offsets(%dma_start3A_75 : memref<128xi32, #tpu.memory_space<vmem>>) semaphore(%arg14 : memref<!tpu.dma_semaphore, #tpu.memory_space<semaphore_mem>>)
    %dma_wait3A_79 = arith.constant 0 : i32
    %dma_wait3A_80 = arith.constant 0 : i32
    %dma_wait3A_81 = tpu.memref_slice %arg4[%dma_wait3A_79, %dma_wait3A_80] : memref<1048576x128xf32, #tpu.memory_space<hbm>> -> memref<256x128xf32, #tpu.memory_space<hbm>>
    %dma_wait3A_82 = arith.constant 0 : i32
    %dma_wait3A_83 = arith.constant 0 : i32
    %dma_wait3A_84 = tpu.memref_slice %arg4[%dma_wait3A_82, %dma_wait3A_83] : memref<1048576x128xf32, #tpu.memory_space<hbm>> -> memref<256x128xf32, #tpu.memory_space<hbm>>
    tpu.wait_dma2 semaphore(%arg13 : memref<!tpu.dma_semaphore, #tpu.memory_space<semaphore_mem>>) src(%dma_wait3A_84 : memref<256x128xf32, #tpu.memory_space<hbm>>) dst(%arg11 : memref<256x128xf32, #tpu.memory_space<vmem>>)
    %dma_wait3A_85 = arith.constant 0 : i32
    %dma_wait3A_86 = arith.constant 0 : i32
    %dma_wait3A_87 = tpu.memref_slice %arg4[%dma_wait3A_85, %dma_wait3A_86] : memref<1048576x128xf32, #tpu.memory_space<hbm>> -> memref<256x128xf32, #tpu.memory_space<hbm>>
    %dma_wait3A_88 = arith.constant 0 : i32
    %dma_wait3A_89 = arith.constant 0 : i32
    %dma_wait3A_90 = tpu.memref_slice %arg4[%dma_wait3A_88, %dma_wait3A_89] : memref<1048576x128xf32, #tpu.memory_space<hbm>> -> memref<256x128xf32, #tpu.memory_space<hbm>>
    tpu.wait_dma2 semaphore(%arg14 : memref<!tpu.dma_semaphore, #tpu.memory_space<semaphore_mem>>) src(%dma_wait3A_90 : memref<256x128xf32, #tpu.memory_space<hbm>>) dst(%arg12 : memref<256x128xf32, #tpu.memory_space<vmem>>)
    %add3A_91 = arith.constant 256 : i32
    %add3A_92 = arith.addi %mul3A_2, %add3A_91 : i32
    "tpu.region"() ({
      %run_scoped3A = tpu.sem_alloc : memref<!tpu.dma_semaphore, #tpu.memory_space<semaphore_mem>>
      %dma_start3A_93 = arith.constant 0 : i32
      %dma_start3A_94 = tpu.memref_slice %arg5[%add3A_92, %dma_start3A_93] : memref<16384x128xf32, #tpu.memory_space<hbm>> -> memref<256x128xf32, #tpu.memory_space<hbm>>
      %dma_start3A_95 = arith.constant 0 : i32
      %dma_start3A_96 = tpu.memref_slice %arg5[%add3A_92, %dma_start3A_95] : memref<16384x128xf32, #tpu.memory_space<hbm>> -> memref<256x128xf32, #tpu.memory_space<hbm>>
      tpu.enqueue_dma source(%arg11 : memref<256x128xf32, #tpu.memory_space<vmem>>) target(%dma_start3A_96 : memref<256x128xf32, #tpu.memory_space<hbm>>) target_semaphore(%run_scoped3A : memref<!tpu.dma_semaphore, #tpu.memory_space<semaphore_mem>>)
      %dma_wait3A_97 = arith.constant 0 : i32
      %dma_wait3A_98 = tpu.memref_slice %arg5[%add3A_92, %dma_wait3A_97] : memref<16384x128xf32, #tpu.memory_space<hbm>> -> memref<256x128xf32, #tpu.memory_space<hbm>>
      %dma_wait3A_99 = arith.constant 0 : i32
      %dma_wait3A_100 = tpu.memref_slice %arg5[%add3A_92, %dma_wait3A_99] : memref<16384x128xf32, #tpu.memory_space<hbm>> -> memref<256x128xf32, #tpu.memory_space<hbm>>
      tpu.wait_dma2 semaphore(%run_scoped3A : memref<!tpu.dma_semaphore, #tpu.memory_space<semaphore_mem>>) src(%arg11 : memref<256x128xf32, #tpu.memory_space<vmem>>) dst(%dma_wait3A_100 : memref<256x128xf32, #tpu.memory_space<hbm>>)
      tpu.yield
    }) : () -> ()
    "tpu.region"() ({
      %run_scoped3A = tpu.sem_alloc : memref<!tpu.dma_semaphore, #tpu.memory_space<semaphore_mem>>
      %dma_start3A_93 = arith.constant 0 : i32
      %dma_start3A_94 = tpu.memref_slice %arg6[%add3A_92, %dma_start3A_93] : memref<16384x128xf32, #tpu.memory_space<hbm>> -> memref<256x128xf32, #tpu.memory_space<hbm>>
      %dma_start3A_95 = arith.constant 0 : i32
      %dma_start3A_96 = tpu.memref_slice %arg6[%add3A_92, %dma_start3A_95] : memref<16384x128xf32, #tpu.memory_space<hbm>> -> memref<256x128xf32, #tpu.memory_space<hbm>>
      tpu.enqueue_dma source(%arg12 : memref<256x128xf32, #tpu.memory_space<vmem>>) target(%dma_start3A_96 : memref<256x128xf32, #tpu.memory_space<hbm>>) target_semaphore(%run_scoped3A : memref<!tpu.dma_semaphore, #tpu.memory_space<semaphore_mem>>)
      %dma_wait3A_97 = arith.constant 0 : i32
      %dma_wait3A_98 = tpu.memref_slice %arg6[%add3A_92, %dma_wait3A_97] : memref<16384x128xf32, #tpu.memory_space<hbm>> -> memref<256x128xf32, #tpu.memory_space<hbm>>
      %dma_wait3A_99 = arith.constant 0 : i32
      %dma_wait3A_100 = tpu.memref_slice %arg6[%add3A_92, %dma_wait3A_99] : memref<16384x128xf32, #tpu.memory_space<hbm>> -> memref<256x128xf32, #tpu.memory_space<hbm>>
      tpu.wait_dma2 semaphore(%run_scoped3A : memref<!tpu.dma_semaphore, #tpu.memory_space<semaphore_mem>>) src(%arg12 : memref<256x128xf32, #tpu.memory_space<vmem>>) dst(%dma_wait3A_100 : memref<256x128xf32, #tpu.memory_space<hbm>>)
      tpu.yield
    }) : () -> ()
    return
  }
}

#map = affine_map<(d0, d1) -> (0)>
module attributes {stable_mosaic.version = 14 : i64} {
  func.func @sc_bias(%arg0: i32, %arg1: i32, %arg2: memref<16384xi32, #tpu.memory_space<hbm>>, %arg3: memref<16384xi32, #tpu.memory_space<hbm>>, %arg4: memref<1000000xf32, #tpu.memory_space<hbm>>, %arg5: memref<1000000xf32, #tpu.memory_space<hbm>>, %arg6: memref<16384xf32, #tpu.memory_space<hbm>>, %arg7: memref<16384xf32, #tpu.memory_space<hbm>>, %arg8: memref<512xi32, #tpu.memory_space<vmem>>, %arg9: memref<512xi32, #tpu.memory_space<vmem>>, %arg10: memref<512xf32, #tpu.memory_space<vmem>>, %arg11: memref<512xf32, #tpu.memory_space<vmem>>, %arg12: memref<!tpu.dma_semaphore, #tpu.memory_space<semaphore_mem>>, %arg13: memref<!tpu.dma_semaphore, #tpu.memory_space<semaphore_mem>>) attributes {dimension_semantics = [#tpu.dimension_semantics<core_parallel>, #tpu.dimension_semantics<subcore_parallel>], iteration_bounds = array<i64: 2, 16>, scalar_prefetch = 0 : i64, scratch_operands = 6 : i64, tpu.core_type = #tpu.core_type<sc_vector_subcore>, window_params = [{transform_indices = #map}, {transform_indices = #map}, {transform_indices = #map}, {transform_indices = #map}, {transform_indices = #map}, {transform_indices = #map}]} {
    %mul3A = arith.constant 2 : i32
    %mul3A_0 = arith.muli %arg1, %mul3A : i32
    %add3A = arith.addi %mul3A_0, %arg0 : i32
    %mul3A_1 = arith.constant 512 : i32
    %mul3A_2 = arith.muli %add3A, %mul3A_1 : i32
    "tpu.region"() ({
      %run_scoped3A = tpu.sem_alloc : memref<!tpu.dma_semaphore, #tpu.memory_space<semaphore_mem>>
      %dma_start3A_57 = tpu.memref_slice %arg2[%mul3A_2] : memref<16384xi32, #tpu.memory_space<hbm>> -> memref<512xi32, #tpu.memory_space<hbm>>
      %dma_start3A_58 = tpu.memref_slice %arg2[%mul3A_2] : memref<16384xi32, #tpu.memory_space<hbm>> -> memref<512xi32, #tpu.memory_space<hbm>>
      tpu.enqueue_dma source(%dma_start3A_58 : memref<512xi32, #tpu.memory_space<hbm>>) target(%arg8 : memref<512xi32, #tpu.memory_space<vmem>>) target_semaphore(%run_scoped3A : memref<!tpu.dma_semaphore, #tpu.memory_space<semaphore_mem>>)
      %dma_wait3A_59 = tpu.memref_slice %arg2[%mul3A_2] : memref<16384xi32, #tpu.memory_space<hbm>> -> memref<512xi32, #tpu.memory_space<hbm>>
      %dma_wait3A_60 = tpu.memref_slice %arg2[%mul3A_2] : memref<16384xi32, #tpu.memory_space<hbm>> -> memref<512xi32, #tpu.memory_space<hbm>>
      tpu.wait_dma2 semaphore(%run_scoped3A : memref<!tpu.dma_semaphore, #tpu.memory_space<semaphore_mem>>) src(%dma_wait3A_60 : memref<512xi32, #tpu.memory_space<hbm>>) dst(%arg8 : memref<512xi32, #tpu.memory_space<vmem>>)
      tpu.yield
    }) : () -> ()
    "tpu.region"() ({
      %run_scoped3A = tpu.sem_alloc : memref<!tpu.dma_semaphore, #tpu.memory_space<semaphore_mem>>
      %dma_start3A_57 = tpu.memref_slice %arg3[%mul3A_2] : memref<16384xi32, #tpu.memory_space<hbm>> -> memref<512xi32, #tpu.memory_space<hbm>>
      %dma_start3A_58 = tpu.memref_slice %arg3[%mul3A_2] : memref<16384xi32, #tpu.memory_space<hbm>> -> memref<512xi32, #tpu.memory_space<hbm>>
      tpu.enqueue_dma source(%dma_start3A_58 : memref<512xi32, #tpu.memory_space<hbm>>) target(%arg9 : memref<512xi32, #tpu.memory_space<vmem>>) target_semaphore(%run_scoped3A : memref<!tpu.dma_semaphore, #tpu.memory_space<semaphore_mem>>)
      %dma_wait3A_59 = tpu.memref_slice %arg3[%mul3A_2] : memref<16384xi32, #tpu.memory_space<hbm>> -> memref<512xi32, #tpu.memory_space<hbm>>
      %dma_wait3A_60 = tpu.memref_slice %arg3[%mul3A_2] : memref<16384xi32, #tpu.memory_space<hbm>> -> memref<512xi32, #tpu.memory_space<hbm>>
      tpu.wait_dma2 semaphore(%run_scoped3A : memref<!tpu.dma_semaphore, #tpu.memory_space<semaphore_mem>>) src(%dma_wait3A_60 : memref<512xi32, #tpu.memory_space<hbm>>) dst(%arg9 : memref<512xi32, #tpu.memory_space<vmem>>)
      tpu.yield
    }) : () -> ()
    %dma_start3A = arith.constant 0 : i32
    %dma_start3A_3 = tpu.memref_slice %arg10[%dma_start3A] : memref<512xf32, #tpu.memory_space<vmem>> -> memref<128xf32, #tpu.memory_space<vmem>>
    %dma_start3A_4 = arith.constant 0 : i32
    %dma_start3A_5 = tpu.memref_slice %arg8[%dma_start3A_4] : memref<512xi32, #tpu.memory_space<vmem>> -> memref<128xi32, #tpu.memory_space<vmem>>
    %dma_start3A_6 = arith.constant 0 : i32
    %dma_start3A_7 = tpu.memref_slice %arg4[%dma_start3A_6] : memref<1000000xf32, #tpu.memory_space<hbm>> -> memref<1000000xf32, #tpu.memory_space<hbm>>
    tpu.enqueue_indirect_dma source(%dma_start3A_7 : memref<1000000xf32, #tpu.memory_space<hbm>>) target(%dma_start3A_3 : memref<128xf32, #tpu.memory_space<vmem>>) offsets(%dma_start3A_5 : memref<128xi32, #tpu.memory_space<vmem>>) semaphore(%arg12 : memref<!tpu.dma_semaphore, #tpu.memory_space<semaphore_mem>>)
    %dma_start3A_8 = arith.constant 0 : i32
    %dma_start3A_9 = tpu.memref_slice %arg11[%dma_start3A_8] : memref<512xf32, #tpu.memory_space<vmem>> -> memref<128xf32, #tpu.memory_space<vmem>>
    %dma_start3A_10 = arith.constant 0 : i32
    %dma_start3A_11 = tpu.memref_slice %arg9[%dma_start3A_10] : memref<512xi32, #tpu.memory_space<vmem>> -> memref<128xi32, #tpu.memory_space<vmem>>
    %dma_start3A_12 = arith.constant 0 : i32
    %dma_start3A_13 = tpu.memref_slice %arg5[%dma_start3A_12] : memref<1000000xf32, #tpu.memory_space<hbm>> -> memref<1000000xf32, #tpu.memory_space<hbm>>
    tpu.enqueue_indirect_dma source(%dma_start3A_13 : memref<1000000xf32, #tpu.memory_space<hbm>>) target(%dma_start3A_9 : memref<128xf32, #tpu.memory_space<vmem>>) offsets(%dma_start3A_11 : memref<128xi32, #tpu.memory_space<vmem>>) semaphore(%arg13 : memref<!tpu.dma_semaphore, #tpu.memory_space<semaphore_mem>>)
    %dma_start3A_14 = arith.constant 128 : i32
    %dma_start3A_15 = tpu.memref_slice %arg10[%dma_start3A_14] : memref<512xf32, #tpu.memory_space<vmem>> -> memref<128xf32, #tpu.memory_space<vmem>>
    %dma_start3A_16 = arith.constant 128 : i32
    %dma_start3A_17 = tpu.memref_slice %arg8[%dma_start3A_16] : memref<512xi32, #tpu.memory_space<vmem>> -> memref<128xi32, #tpu.memory_space<vmem>>
    %dma_start3A_18 = arith.constant 0 : i32
    %dma_start3A_19 = tpu.memref_slice %arg4[%dma_start3A_18] : memref<1000000xf32, #tpu.memory_space<hbm>> -> memref<1000000xf32, #tpu.memory_space<hbm>>
    tpu.enqueue_indirect_dma source(%dma_start3A_19 : memref<1000000xf32, #tpu.memory_space<hbm>>) target(%dma_start3A_15 : memref<128xf32, #tpu.memory_space<vmem>>) offsets(%dma_start3A_17 : memref<128xi32, #tpu.memory_space<vmem>>) semaphore(%arg12 : memref<!tpu.dma_semaphore, #tpu.memory_space<semaphore_mem>>)
    %dma_start3A_20 = arith.constant 128 : i32
    %dma_start3A_21 = tpu.memref_slice %arg11[%dma_start3A_20] : memref<512xf32, #tpu.memory_space<vmem>> -> memref<128xf32, #tpu.memory_space<vmem>>
    %dma_start3A_22 = arith.constant 128 : i32
    %dma_start3A_23 = tpu.memref_slice %arg9[%dma_start3A_22] : memref<512xi32, #tpu.memory_space<vmem>> -> memref<128xi32, #tpu.memory_space<vmem>>
    %dma_start3A_24 = arith.constant 0 : i32
    %dma_start3A_25 = tpu.memref_slice %arg5[%dma_start3A_24] : memref<1000000xf32, #tpu.memory_space<hbm>> -> memref<1000000xf32, #tpu.memory_space<hbm>>
    tpu.enqueue_indirect_dma source(%dma_start3A_25 : memref<1000000xf32, #tpu.memory_space<hbm>>) target(%dma_start3A_21 : memref<128xf32, #tpu.memory_space<vmem>>) offsets(%dma_start3A_23 : memref<128xi32, #tpu.memory_space<vmem>>) semaphore(%arg13 : memref<!tpu.dma_semaphore, #tpu.memory_space<semaphore_mem>>)
    %dma_start3A_26 = arith.constant 256 : i32
    %dma_start3A_27 = tpu.memref_slice %arg10[%dma_start3A_26] : memref<512xf32, #tpu.memory_space<vmem>> -> memref<128xf32, #tpu.memory_space<vmem>>
    %dma_start3A_28 = arith.constant 256 : i32
    %dma_start3A_29 = tpu.memref_slice %arg8[%dma_start3A_28] : memref<512xi32, #tpu.memory_space<vmem>> -> memref<128xi32, #tpu.memory_space<vmem>>
    %dma_start3A_30 = arith.constant 0 : i32
    %dma_start3A_31 = tpu.memref_slice %arg4[%dma_start3A_30] : memref<1000000xf32, #tpu.memory_space<hbm>> -> memref<1000000xf32, #tpu.memory_space<hbm>>
    tpu.enqueue_indirect_dma source(%dma_start3A_31 : memref<1000000xf32, #tpu.memory_space<hbm>>) target(%dma_start3A_27 : memref<128xf32, #tpu.memory_space<vmem>>) offsets(%dma_start3A_29 : memref<128xi32, #tpu.memory_space<vmem>>) semaphore(%arg12 : memref<!tpu.dma_semaphore, #tpu.memory_space<semaphore_mem>>)
    %dma_start3A_32 = arith.constant 256 : i32
    %dma_start3A_33 = tpu.memref_slice %arg11[%dma_start3A_32] : memref<512xf32, #tpu.memory_space<vmem>> -> memref<128xf32, #tpu.memory_space<vmem>>
    %dma_start3A_34 = arith.constant 256 : i32
    %dma_start3A_35 = tpu.memref_slice %arg9[%dma_start3A_34] : memref<512xi32, #tpu.memory_space<vmem>> -> memref<128xi32, #tpu.memory_space<vmem>>
    %dma_start3A_36 = arith.constant 0 : i32
    %dma_start3A_37 = tpu.memref_slice %arg5[%dma_start3A_36] : memref<1000000xf32, #tpu.memory_space<hbm>> -> memref<1000000xf32, #tpu.memory_space<hbm>>
    tpu.enqueue_indirect_dma source(%dma_start3A_37 : memref<1000000xf32, #tpu.memory_space<hbm>>) target(%dma_start3A_33 : memref<128xf32, #tpu.memory_space<vmem>>) offsets(%dma_start3A_35 : memref<128xi32, #tpu.memory_space<vmem>>) semaphore(%arg13 : memref<!tpu.dma_semaphore, #tpu.memory_space<semaphore_mem>>)
    %dma_start3A_38 = arith.constant 384 : i32
    %dma_start3A_39 = tpu.memref_slice %arg10[%dma_start3A_38] : memref<512xf32, #tpu.memory_space<vmem>> -> memref<128xf32, #tpu.memory_space<vmem>>
    %dma_start3A_40 = arith.constant 384 : i32
    %dma_start3A_41 = tpu.memref_slice %arg8[%dma_start3A_40] : memref<512xi32, #tpu.memory_space<vmem>> -> memref<128xi32, #tpu.memory_space<vmem>>
    %dma_start3A_42 = arith.constant 0 : i32
    %dma_start3A_43 = tpu.memref_slice %arg4[%dma_start3A_42] : memref<1000000xf32, #tpu.memory_space<hbm>> -> memref<1000000xf32, #tpu.memory_space<hbm>>
    tpu.enqueue_indirect_dma source(%dma_start3A_43 : memref<1000000xf32, #tpu.memory_space<hbm>>) target(%dma_start3A_39 : memref<128xf32, #tpu.memory_space<vmem>>) offsets(%dma_start3A_41 : memref<128xi32, #tpu.memory_space<vmem>>) semaphore(%arg12 : memref<!tpu.dma_semaphore, #tpu.memory_space<semaphore_mem>>)
    %dma_start3A_44 = arith.constant 384 : i32
    %dma_start3A_45 = tpu.memref_slice %arg11[%dma_start3A_44] : memref<512xf32, #tpu.memory_space<vmem>> -> memref<128xf32, #tpu.memory_space<vmem>>
    %dma_start3A_46 = arith.constant 384 : i32
    %dma_start3A_47 = tpu.memref_slice %arg9[%dma_start3A_46] : memref<512xi32, #tpu.memory_space<vmem>> -> memref<128xi32, #tpu.memory_space<vmem>>
    %dma_start3A_48 = arith.constant 0 : i32
    %dma_start3A_49 = tpu.memref_slice %arg5[%dma_start3A_48] : memref<1000000xf32, #tpu.memory_space<hbm>> -> memref<1000000xf32, #tpu.memory_space<hbm>>
    tpu.enqueue_indirect_dma source(%dma_start3A_49 : memref<1000000xf32, #tpu.memory_space<hbm>>) target(%dma_start3A_45 : memref<128xf32, #tpu.memory_space<vmem>>) offsets(%dma_start3A_47 : memref<128xi32, #tpu.memory_space<vmem>>) semaphore(%arg13 : memref<!tpu.dma_semaphore, #tpu.memory_space<semaphore_mem>>)
    %dma_wait3A = arith.constant 0 : i32
    %dma_wait3A_50 = tpu.memref_slice %arg4[%dma_wait3A] : memref<1000000xf32, #tpu.memory_space<hbm>> -> memref<512xf32, #tpu.memory_space<hbm>>
    %dma_wait3A_51 = arith.constant 0 : i32
    %dma_wait3A_52 = tpu.memref_slice %arg4[%dma_wait3A_51] : memref<1000000xf32, #tpu.memory_space<hbm>> -> memref<512xf32, #tpu.memory_space<hbm>>
    tpu.wait_dma2 semaphore(%arg12 : memref<!tpu.dma_semaphore, #tpu.memory_space<semaphore_mem>>) src(%dma_wait3A_52 : memref<512xf32, #tpu.memory_space<hbm>>) dst(%arg10 : memref<512xf32, #tpu.memory_space<vmem>>)
    %dma_wait3A_53 = arith.constant 0 : i32
    %dma_wait3A_54 = tpu.memref_slice %arg5[%dma_wait3A_53] : memref<1000000xf32, #tpu.memory_space<hbm>> -> memref<512xf32, #tpu.memory_space<hbm>>
    %dma_wait3A_55 = arith.constant 0 : i32
    %dma_wait3A_56 = tpu.memref_slice %arg5[%dma_wait3A_55] : memref<1000000xf32, #tpu.memory_space<hbm>> -> memref<512xf32, #tpu.memory_space<hbm>>
    tpu.wait_dma2 semaphore(%arg13 : memref<!tpu.dma_semaphore, #tpu.memory_space<semaphore_mem>>) src(%dma_wait3A_56 : memref<512xf32, #tpu.memory_space<hbm>>) dst(%arg11 : memref<512xf32, #tpu.memory_space<vmem>>)
    "tpu.region"() ({
      %run_scoped3A = tpu.sem_alloc : memref<!tpu.dma_semaphore, #tpu.memory_space<semaphore_mem>>
      %dma_start3A_57 = tpu.memref_slice %arg6[%mul3A_2] : memref<16384xf32, #tpu.memory_space<hbm>> -> memref<512xf32, #tpu.memory_space<hbm>>
      %dma_start3A_58 = tpu.memref_slice %arg6[%mul3A_2] : memref<16384xf32, #tpu.memory_space<hbm>> -> memref<512xf32, #tpu.memory_space<hbm>>
      tpu.enqueue_dma source(%arg10 : memref<512xf32, #tpu.memory_space<vmem>>) target(%dma_start3A_58 : memref<512xf32, #tpu.memory_space<hbm>>) target_semaphore(%run_scoped3A : memref<!tpu.dma_semaphore, #tpu.memory_space<semaphore_mem>>)
      %dma_wait3A_59 = tpu.memref_slice %arg6[%mul3A_2] : memref<16384xf32, #tpu.memory_space<hbm>> -> memref<512xf32, #tpu.memory_space<hbm>>
      %dma_wait3A_60 = tpu.memref_slice %arg6[%mul3A_2] : memref<16384xf32, #tpu.memory_space<hbm>> -> memref<512xf32, #tpu.memory_space<hbm>>
      tpu.wait_dma2 semaphore(%run_scoped3A : memref<!tpu.dma_semaphore, #tpu.memory_space<semaphore_mem>>) src(%arg10 : memref<512xf32, #tpu.memory_space<vmem>>) dst(%dma_wait3A_60 : memref<512xf32, #tpu.memory_space<hbm>>)
      tpu.yield
    }) : () -> ()
    "tpu.region"() ({
      %run_scoped3A = tpu.sem_alloc : memref<!tpu.dma_semaphore, #tpu.memory_space<semaphore_mem>>
      %dma_start3A_57 = tpu.memref_slice %arg7[%mul3A_2] : memref<16384xf32, #tpu.memory_space<hbm>> -> memref<512xf32, #tpu.memory_space<hbm>>
      %dma_start3A_58 = tpu.memref_slice %arg7[%mul3A_2] : memref<16384xf32, #tpu.memory_space<hbm>> -> memref<512xf32, #tpu.memory_space<hbm>>
      tpu.enqueue_dma source(%arg11 : memref<512xf32, #tpu.memory_space<vmem>>) target(%dma_start3A_58 : memref<512xf32, #tpu.memory_space<hbm>>) target_semaphore(%run_scoped3A : memref<!tpu.dma_semaphore, #tpu.memory_space<semaphore_mem>>)
      %dma_wait3A_59 = tpu.memref_slice %arg7[%mul3A_2] : memref<16384xf32, #tpu.memory_space<hbm>> -> memref<512xf32, #tpu.memory_space<hbm>>
      %dma_wait3A_60 = tpu.memref_slice %arg7[%mul3A_2] : memref<16384xf32, #tpu.memory_space<hbm>> -> memref<512xf32, #tpu.memory_space<hbm>>
      tpu.wait_dma2 semaphore(%run_scoped3A : memref<!tpu.dma_semaphore, #tpu.memory_space<semaphore_mem>>) src(%arg11 : memref<512xf32, #tpu.memory_space<vmem>>) dst(%dma_wait3A_60 : memref<512xf32, #tpu.memory_space<hbm>>)
      tpu.yield
    }) : () -> ()
    return
  }
}

module attributes {stable_mosaic.version = 14 : i64} {
  func.func @_repack_body(%arg0: i32, %arg1: memref<64x16384xf32, #tpu.memory_space<vmem>>, %arg2: memref<64x16384xf32, #tpu.memory_space<vmem>>, %arg3: memref<16384x128xf32, #tpu.memory_space<vmem>>) attributes {dimension_semantics = [#tpu.dimension_semantics<arbitrary>], iteration_bounds = array<i64: 64>, scalar_prefetch = 0 : i64, scratch_operands = 0 : i64, tpu.core_type = #tpu.core_type<tc>, window_params = [{transform_indices = @transform_0, window_bounds = array<i64: 64, 16384>}, {transform_indices = @transform_1, window_bounds = array<i64: 64, 16384>}, {transform_indices = @transform_2, window_bounds = array<i64: 16384, 128>}]} {
    %get3A = arith.constant 0 : index
    %get3A_0 = arith.constant 0 : index
    %get3A_1 = vector.load %arg1[%get3A, %get3A_0] : memref<64x16384xf32, #tpu.memory_space<vmem>>, vector<64x16384xf32>
    %get3A_2 = arith.constant 0 : index
    %get3A_3 = arith.constant 0 : index
    %get3A_4 = vector.load %arg2[%get3A_2, %get3A_3] : memref<64x16384xf32, #tpu.memory_space<vmem>>, vector<64x16384xf32>
    %concatenate3A = tpu.concatenate %get3A_1, %get3A_4 in 0 : vector<64x16384xf32>, vector<64x16384xf32> -> vector<128x16384xf32>
    %transpose3A = tpu.transpose %concatenate3A, [1, 0] : vector<128x16384xf32> -> vector<16384x128xf32>
    %swap3A = arith.constant 0 : index
    %swap3A_5 = arith.constant 0 : index
    %swap3A_6 = vector.load %arg3[%swap3A, %swap3A_5] : memref<16384x128xf32, #tpu.memory_space<vmem>>, vector<16384x128xf32>
    tpu.vector_store %arg3[%swap3A, %swap3A_5], %transpose3A {strides = array<i32>} : memref<16384x128xf32, #tpu.memory_space<vmem>>, vector<16384x128xf32>,
    return
  }
  func.func @transform_0(%arg0: i32) -> (i32, i32) {
    %min3A = arith.constant 61 : i32
    %min3A_0 = arith.minsi %arg0, %min3A : i32
    %c0_i32 = arith.constant 0 : i32
    %c0_i32_1 = arith.constant 0 : i32
    return %c0_i32, %min3A_0 : i32, i32
  }
  func.func @transform_1(%arg0: i32) -> (i32, i32) {
    %min3A = arith.constant 61 : i32
    %min3A_0 = arith.minsi %arg0, %min3A : i32
    %c0_i32 = arith.constant 0 : i32
    %c0_i32_1 = arith.constant 0 : i32
    return %c0_i32, %min3A_0 : i32, i32
  }
  func.func @transform_2(%arg0: i32) -> (i32, i32) {
    %c0_i32 = arith.constant 0 : i32
    %c0_i32_0 = arith.constant 0 : i32
    return %arg0, %c0_i32 : i32, i32
  }
}

module attributes {stable_mosaic.version = 14 : i64} {
  func.func @_mlp_body(%arg0: i32, %arg1: memref<8192x128xf32, #tpu.memory_space<vmem>>, %arg2: memref<8192x128xf32, #tpu.memory_space<vmem>>, %arg3: memref<8192xf32, #tpu.memory_space<vmem>>, %arg4: memref<8192xf32, #tpu.memory_space<vmem>>, %arg5: memref<128x128xf32, #tpu.memory_space<vmem>>, %arg6: memref<1x128xf32, #tpu.memory_space<vmem>>, %arg7: memref<128x64xf32, #tpu.memory_space<vmem>>, %arg8: memref<1x64xf32, #tpu.memory_space<vmem>>, %arg9: memref<1x64xf32, #tpu.memory_space<vmem>>, %arg10: memref<1x1xf32, #tpu.memory_space<vmem>>, %arg11: memref<1x1xf32, #tpu.memory_space<vmem>>, %arg12: memref<8192xf32, #tpu.memory_space<vmem>>) attributes {dimension_semantics = [#tpu.dimension_semantics<arbitrary>], iteration_bounds = array<i64: 2>, scalar_prefetch = 0 : i64, scratch_operands = 0 : i64, tpu.core_type = #tpu.core_type<tc>, window_params = [{transform_indices = @transform_0, window_bounds = array<i64: 8192, 128>}, {transform_indices = @transform_1, window_bounds = array<i64: 8192, 128>}, {transform_indices = @transform_2, window_bounds = array<i64: 8192>}, {transform_indices = @transform_3, window_bounds = array<i64: 8192>}, {pipeline_mode = #tpu.pipeline_mode<synchronous>, transform_indices = @transform_4, window_bounds = array<i64: 128, 128>}, {pipeline_mode = #tpu.pipeline_mode<synchronous>, transform_indices = @transform_5, window_bounds = array<i64: 1, 128>}, {pipeline_mode = #tpu.pipeline_mode<synchronous>, transform_indices = @transform_6, window_bounds = array<i64: 128, 64>}, {pipeline_mode = #tpu.pipeline_mode<synchronous>, transform_indices = @transform_7, window_bounds = array<i64: 1, 64>}, {pipeline_mode = #tpu.pipeline_mode<synchronous>, transform_indices = @transform_8, window_bounds = array<i64: 1, 64>}, {pipeline_mode = #tpu.pipeline_mode<synchronous>, transform_indices = @transform_9, window_bounds = array<i64: 1, 1>}, {pipeline_mode = #tpu.pipeline_mode<synchronous>, transform_indices = @transform_10, window_bounds = array<i64: 1, 1>}, {transform_indices = @transform_11, window_bounds = array<i64: 8192>}]} {
    %get3A = arith.constant 0 : index
    %get3A_0 = arith.constant 0 : index
    %get3A_1 = vector.load %arg1[%get3A, %get3A_0] : memref<8192x128xf32, #tpu.memory_space<vmem>>, vector<8192x128xf32>
    %slice3A = vector.extract_strided_slice %get3A_1 {offsets = [0, 0], sizes = [8192, 64], strides = [1, 1]} : vector<8192x128xf32> to vector<8192x64xf32>
    %get3A_2 = arith.constant 0 : index
    %get3A_3 = arith.constant 0 : index
    %get3A_4 = vector.load %arg2[%get3A_2, %get3A_3] : memref<8192x128xf32, #tpu.memory_space<vmem>>, vector<8192x128xf32>
    %slice3A_5 = vector.extract_strided_slice %get3A_4 {offsets = [0, 64], sizes = [8192, 64], strides = [1, 1]} : vector<8192x128xf32> to vector<8192x64xf32>
    %get3A_6 = arith.constant 0 : index
    %get3A_7 = arith.constant 0 : index
    %get3A_8 = vector.load %arg5[%get3A_6, %get3A_7] : memref<128x128xf32, #tpu.memory_space<vmem>>, vector<128x128xf32>
    %slice3A_9 = vector.extract_strided_slice %get3A_8 {offsets = [0, 0], sizes = [64, 128], strides = [1, 1]} : vector<128x128xf32> to vector<64x128xf32>
    %dot_general3A = arith.constant dense<0.000000e+00> : vector<8192x128xf32>
    %dot_general3A_10 = tpu.matmul %slice3A, %slice3A_9, %dot_general3A {dimension_numbers = #tpu.dot_dimension_numbers<[1], [0], [0], [1], [0, 0, 1, 1], [], []>, transpose_lhs_hint = false} : vector<8192x64xf32>, vector<64x128xf32>, vector<8192x128xf32> -> vector<8192x128xf32>
    %slice3A_11 = vector.extract_strided_slice %get3A_8 {offsets = [64, 0], sizes = [64, 128], strides = [1, 1]} : vector<128x128xf32> to vector<64x128xf32>
    %dot_general3A_12 = arith.constant dense<0.000000e+00> : vector<8192x128xf32>
    %dot_general3A_13 = tpu.matmul %slice3A_5, %slice3A_11, %dot_general3A_12 {dimension_numbers = #tpu.dot_dimension_numbers<[1], [0], [0], [1], [0, 0, 1, 1], [], []>, transpose_lhs_hint = false} : vector<8192x64xf32>, vector<64x128xf32>, vector<8192x128xf32> -> vector<8192x128xf32>
    %add3A = arith.addf %dot_general3A_10, %dot_general3A_13 : vector<8192x128xf32>
    %get3A_14 = arith.constant 0 : index
    %get3A_15 = arith.constant 0 : index
    %get3A_16 = vector.load %arg6[%get3A_14, %get3A_15] : memref<1x128xf32, #tpu.memory_space<vmem>>, vector<1x128xf32>
    %add3A_17 = vector.broadcast %get3A_16 : vector<1x128xf32> to vector<8192x128xf32>
    %add3A_18 = arith.addf %add3A, %add3A_17 : vector<8192x128xf32>
    %max3A = arith.constant 0.000000e+00 : f32
    %max3A_19 = vector.broadcast %max3A : f32 to vector<8192x128xf32>
    %max3A_20 = arith.maximumf %add3A_18, %max3A_19 : vector<8192x128xf32>
    %get3A_21 = arith.constant 0 : index
    %get3A_22 = arith.constant 0 : index
    %get3A_23 = vector.load %arg7[%get3A_21, %get3A_22] : memref<128x64xf32, #tpu.memory_space<vmem>>, vector<128x64xf32>
    %dot_general3A_24 = arith.constant dense<0.000000e+00> : vector<8192x64xf32>
    %dot_general3A_25 = tpu.matmul %max3A_20, %get3A_23, %dot_general3A_24 {dimension_numbers = #tpu.dot_dimension_numbers<[1], [0], [0], [1], [0, 0, 1, 1], [], []>, transpose_lhs_hint = false} : vector<8192x128xf32>, vector<128x64xf32>, vector<8192x64xf32> -> vector<8192x64xf32>
    %get3A_26 = arith.constant 0 : index
    %get3A_27 = arith.constant 0 : index
    %get3A_28 = vector.load %arg8[%get3A_26, %get3A_27] : memref<1x64xf32, #tpu.memory_space<vmem>>, vector<1x64xf32>
    %add3A_29 = vector.broadcast %get3A_28 : vector<1x64xf32> to vector<8192x64xf32>
    %add3A_30 = arith.addf %dot_general3A_25, %add3A_29 : vector<8192x64xf32>
    %max3A_31 = arith.constant 0.000000e+00 : f32
    %max3A_32 = vector.broadcast %max3A_31 : f32 to vector<8192x64xf32>
    %max3A_33 = arith.maximumf %add3A_30, %max3A_32 : vector<8192x64xf32>
    %get3A_34 = arith.constant 0 : index
    %get3A_35 = arith.constant 0 : index
    %get3A_36 = vector.load %arg9[%get3A_34, %get3A_35] : memref<1x64xf32, #tpu.memory_space<vmem>>, vector<1x64xf32>
    %mul3A = vector.broadcast %get3A_36 : vector<1x64xf32> to vector<8192x64xf32>
    %mul3A_37 = arith.mulf %max3A_33, %mul3A : vector<8192x64xf32>
    %reduce_sum3A = arith.constant dense<0.000000e+00> : vector<8192xf32>
    %reduce_sum3A_38 = vector.multi_reduction <add>, %mul3A_37, %reduce_sum3A [1] : vector<8192x64xf32> to vector<8192xf32>
    %mul3A_39 = arith.mulf %slice3A, %slice3A_5 : vector<8192x64xf32>
    %reduce_sum3A_40 = arith.constant dense<0.000000e+00> : vector<8192xf32>
    %reduce_sum3A_41 = vector.multi_reduction <add>, %mul3A_39, %reduce_sum3A_40 [1] : vector<8192x64xf32> to vector<8192xf32>
    %add3A_42 = arith.addf %reduce_sum3A_41, %reduce_sum3A_38 : vector<8192xf32>
    %get3A_43 = arith.constant 0 : index
    %get3A_44 = vector.load %arg3[%get3A_43] : memref<8192xf32, #tpu.memory_space<vmem>>, vector<8192xf32>
    %add3A_45 = arith.addf %add3A_42, %get3A_44 : vector<8192xf32>
    %get3A_46 = arith.constant 0 : index
    %get3A_47 = vector.load %arg4[%get3A_46] : memref<8192xf32, #tpu.memory_space<vmem>>, vector<8192xf32>
    %add3A_48 = arith.addf %add3A_45, %get3A_47 : vector<8192xf32>
    %get3A_49 = arith.constant 0 : index
    %get3A_50 = arith.constant 0 : index
    %get3A_51 = vector.load %arg10[%get3A_49, %get3A_50] : memref<1x1xf32, #tpu.memory_space<vmem>>, vector<1x1xf32>
    %get3A_52 = vector.extract %get3A_51[0, 0] : f32 from vector<1x1xf32>
    %add3A_53 = vector.broadcast %get3A_52 : f32 to vector<8192xf32>
    %add3A_54 = arith.addf %add3A_48, %add3A_53 : vector<8192xf32>
    %get3A_55 = arith.constant 0 : index
    %get3A_56 = arith.constant 0 : index
    %get3A_57 = vector.load %arg11[%get3A_55, %get3A_56] : memref<1x1xf32, #tpu.memory_space<vmem>>, vector<1x1xf32>
    %get3A_58 = vector.extract %get3A_57[0, 0] : f32 from vector<1x1xf32>
    %add3A_59 = vector.broadcast %get3A_58 : f32 to vector<8192xf32>
    %add3A_60 = arith.addf %add3A_54, %add3A_59 : vector<8192xf32>
    %swap3A = arith.constant 0 : index
    %swap3A_61 = vector.load %arg12[%swap3A] : memref<8192xf32, #tpu.memory_space<vmem>>, vector<8192xf32>
    tpu.vector_store %arg12[%swap3A], %add3A_60 {strides = array<i32>} : memref<8192xf32, #tpu.memory_space<vmem>>, vector<8192xf32>,
    return
  }
  func.func @transform_0(%arg0: i32) -> (i32, i32) {
    %c0_i32 = arith.constant 0 : i32
    %c0_i32_0 = arith.constant 0 : i32
    return %arg0, %c0_i32 : i32, i32
  }
  func.func @transform_1(%arg0: i32) -> (i32, i32) {
    %c0_i32 = arith.constant 0 : i32
    %c0_i32_0 = arith.constant 0 : i32
    return %arg0, %c0_i32 : i32, i32
  }
  func.func @transform_2(%arg0: i32) -> i32 {
    %c0_i32 = arith.constant 0 : i32
    return %arg0 : i32
  }
  func.func @transform_3(%arg0: i32) -> i32 {
    %c0_i32 = arith.constant 0 : i32
    return %arg0 : i32
  }
  func.func @transform_4(%arg0: i32) -> (i32, i32) {
    %c0_i32 = arith.constant 0 : i32
    %c0_i32_0 = arith.constant 0 : i32
    %c0_i32_1 = arith.constant 0 : i32
    return %c0_i32, %c0_i32_0 : i32, i32
  }
  func.func @transform_5(%arg0: i32) -> (i32, i32) {
    %c0_i32 = arith.constant 0 : i32
    %c0_i32_0 = arith.constant 0 : i32
    %c0_i32_1 = arith.constant 0 : i32
    return %c0_i32, %c0_i32_0 : i32, i32
  }
  func.func @transform_6(%arg0: i32) -> (i32, i32) {
    %c0_i32 = arith.constant 0 : i32
    %c0_i32_0 = arith.constant 0 : i32
    %c0_i32_1 = arith.constant 0 : i32
    return %c0_i32, %c0_i32_0 : i32, i32
  }
  func.func @transform_7(%arg0: i32) -> (i32, i32) {
    %c0_i32 = arith.constant 0 : i32
    %c0_i32_0 = arith.constant 0 : i32
    %c0_i32_1 = arith.constant 0 : i32
    return %c0_i32, %c0_i32_0 : i32, i32
  }
  func.func @transform_8(%arg0: i32) -> (i32, i32) {
    %c0_i32 = arith.constant 0 : i32
    %c0_i32_0 = arith.constant 0 : i32
    %c0_i32_1 = arith.constant 0 : i32
    return %c0_i32, %c0_i32_0 : i32, i32
  }
  func.func @transform_9(%arg0: i32) -> (i32, i32) {
    %c0_i32 = arith.constant 0 : i32
    %c0_i32_0 = arith.constant 0 : i32
    %c0_i32_1 = arith.constant 0 : i32
    return %c0_i32, %c0_i32_0 : i32, i32
  }
  func.func @transform_10(%arg0: i32) -> (i32, i32) {
    %c0_i32 = arith.constant 0 : i32
    %c0_i32_0 = arith.constant 0 : i32
    %c0_i32_1 = arith.constant 0 : i32
    return %c0_i32, %c0_i32_0 : i32, i32
  }
  func.func @transform_11(%arg0: i32) -> i32 {
    %c0_i32 = arith.constant 0 : i32
    return %arg0 : i32
  }
}

</mosaic_0001>

<sc_bundles>
// kernel: kernel.6.cloned.1.call-start
scs
__scs_entry_jumppad:
0x0: {  	(pc) =	sbr.rel $0x88, $3  }
0x1: {  	(tag) =	ssettag $0x0;
	lr =	simm.s32 $0x1  }
0x2: {  	[smem:$0x3F94] =	sst lr;
	_ =	strace $0xD0000000  }
0x3: {  	_ = 	snop  }
0x4: {  	_ = 	snop  }
0x5: {  	_ = 	snop  }
0x6: {  	_ = 	snop  }
0x7: {  	_ = 	snop  }
__scs_overlays_trampoline_lowered:
0x8: {  	[smem:$0x3FA3] =	sst s0  }
0x9: {  	[smem:$0x3FA4] =	sst s1  }
0xa: {  	[smem:$0x3FA5] =	sst s2  }
0xb: {  	[smem:$0x3FA6] =	sst s3  }
0xc: {  	[smem:$0x3FA7] =	sst s4  }
0xd: {  	[smem:$0x3FA8] =	sst s5  }
0xe: {  	[smem:$0x3FA9] =	sst s6  }
0xf: {  	[smem:$0x3FAA] =	sst s7  }
0x10: {  	[smem:$0x3FAB] =	sst s8  }
0x11: {  	[smem:$0x3FAC] =	sst s9;
	s0 =	simm.s32 @!p0 $0x0  }
0x12: {  	s1 =	sld [smem:$0x3F92];
	s0 =	simm.s32 @p0 $0x1  }
0x13: {  	[smem:$0x3FAD] =	sst s0;
	s0 =	simm.s32 @!p1 $0x0  }
0x14: {  	s2 =	sld [smem:$0x3F91];
	s0 =	simm.s32 @p1 $0x1  }
0x15: {  	[smem:$0x3FAE] =	sst s0;
	s0 =	simm.s32 @!p2 $0x0  }
0x16: {  	s3 =	sld [smem:$0x3FDB];
	s0 =	simm.s32 @p2 $0x1  }
0x17: {  	s4 =	simm.s32 $0x1BF5;
	[smem:$0x3FB0] =	sst s0  }
0x18: {  	s0 =	sld [smem:$0x3F93];
	_ =	swait.ge [sflag:s4], $0x0  }
0x19: {  	s7 =	sld [smem:$0x3F94]  }
0x1a: {  	s8 =	sadd.s32 $0xFFFFE003, lr  }
0x1b: {  	s9 =	sadd.s32 $0xFFFFFEF7, lr;
	s5 =	simm.s32 $0xFFFFFFFF;
	p2 =	slt.u32 s8, $0xFFFFF086  }
0x1c: {  	p1 =	slt.u32 s9, $0xF7A;
	s5 =	simm.s32 @!p2 $0x0  }
0x1d: {  	s5 =	simm.s32 @p1 $0x1;
	p0 =	seq.s32 s7, s2  }
0x1e: {  	s7 =	smul.u32 @!p0 $0xF7A, s2;
	p2 =	seq.s32 @!p0 s5, $0x0  }
0x1f: {  	s9 =	smul.u32 $0xF7A, s1;
	s8 =	simm.s32 @!p0 $0x1BF5;
	p2 =	por !p2, p0  }
0x20: {  	[sflag:s8] =	ssyncset.s32 @!p0 $0xFFFFF086;
	s6 =	sadd.s32 @!p0 s3, s7;
	s7 =	simm.s32 @!p0 $0x108  }
0x21: {  	s3 =	sadd.s32 s3, s9;
	s6 =	sadd.s32 @!p0 $0x88, s6;
	s7 =	simm.s32 @p2 $0x1082  }
0x22: {  	[simem:s7], [sflag:s8] =	dma.local @!p0 [hbm:s6], $0xF7A  }
0x23: {  	s9 =	sor.u32 $0xD0000000, s2;
	s6 =	simm.s32 $0x108;
	_ =	swait.ge @!p0 [sflag:s8], $0x0  }
0x24: {  	s3 =	sadd.s32 $0x88, s3;
	s6 =	simm.s32 @!p1 $0x1082;
	[sflag:s4] =	ssyncset.s32 $0xFFFFF086  }
0x25: {  	[simem:s6], [sflag:s4] =	dma.local [hbm:s3], $0xF7A  }
0x26: {  	[smem:$0x3F94] =	sst s1;
	(tag) =	ssettag s2;
	_ =	strace s9  }
0x27: {  	s1 =	sld [smem:$0x3FA4]  }
0x28: {  	s2 =	sld [smem:$0x3FA5]  }
0x29: {  	s4 =	sld [smem:$0x3FA7]  }
0x2a: {  	p0 =	seq.s32 s5, $0x0;
	s5 =	sld [smem:$0x3FA8]  }
0x2b: {  	s6 =	sld [smem:$0x3FA9]  }
0x2c: {  	s7 =	sld [smem:$0x3FAA]  }
0x2d: {  	s3 =	simm.s32 $0x108;
	s8 =	sld [smem:$0x3FAB]  }
0x2e: {  	s3 =	simm.s32 @!p0 $0x1082;
	s9 =	sld [smem:$0x3FAC]  }
0x2f: {  	lr =	sadd.s32 s0, s3;
	s0 =	sld [smem:$0x3FA3]  }
0x30: {  	s3 =	sld [smem:$0x3FA6]  }
0x31: {  	[smem:$0x3FAF] =	sst s10  }
0x32: {  	s10 =	sld [smem:$0x3FAD];
	_ =	sdelay $0x3  }
0x33: {  	p0 =	seq.s32 s10, $0x1;
	s10 =	sld [smem:$0x3FAF];
	_ =	sdelay $0x3  }
0x34: {  	[smem:$0x3FAF] =	sst s10  }
0x35: {  	s10 =	sld [smem:$0x3FAE];
	_ =	sdelay $0x3  }
0x36: {  	p1 =	seq.s32 s10, $0x1;
	s10 =	sld [smem:$0x3FAF];
	_ =	sdelay $0x3  }
0x37: {  	[smem:$0x3FAF] =	sst s10  }
0x38: {  	s10 =	sld [smem:$0x3FB0]  }
0x39: {  	_ = 	snop;
	(pc) =	sbr.ind lr, $3  }
0x3a: {  	_ = 	snop  }
0x3b: {  	_ = 	snop  }
0x3c: {  	p2 =	seq.s32 s10, $0x1;
	s10 =	sld [smem:$0x3FAF]  }
0x3d: {  	_ =	shalt  }
0x3e: {  	_ =	shalt  }
0x3f: {  	_ =	shalt  }
0x40: {  	_ =	shalt  }
0x41: {  	_ =	shalt  }
0x42: {  	_ =	shalt  }
0x43: {  	_ =	shalt  }
0x44: {  	_ =	shalt  }
0x45: {  	_ =	shalt  }
0x46: {  	_ =	shalt  }
0x47: {  	_ =	shalt  }
0x48: {  	_ =	shalt  }
0x49: {  	_ =	shalt  }
0x4a: {  	_ =	shalt  }
0x4b: {  	_ =	shalt  }
0x4c: {  	_ =	shalt  }
0x4d: {  	_ =	shalt  }
0x4e: {  	_ =	shalt  }
0x4f: {  	_ =	shalt  }
0x50: {  	_ =	shalt  }
0x51: {  	_ =	shalt  }
0x52: {  	_ =	shalt  }
0x53: {  	_ =	shalt  }
0x54: {  	_ =	shalt  }
0x55: {  	_ =	shalt  }
0x56: {  	_ =	shalt  }
0x57: {  	_ =	shalt  }
0x58: {  	_ =	shalt  }
0x59: {  	_ =	shalt  }
0x5a: {  	_ =	shalt  }
0x5b: {  	_ =	shalt  }
0x5c: {  	_ =	shalt  }
0x5d: {  	_ =	shalt  }
0x5e: {  	_ =	shalt  }
0x5f: {  	_ =	shalt  }
0x60: {  	_ =	shalt  }
0x61: {  	_ =	shalt  }
0x62: {  	_ =	shalt  }
0x63: {  	_ =	shalt  }
0x64: {  	_ =	shalt  }
0x65: {  	_ =	shalt  }
0x66: {  	_ =	shalt  }
0x67: {  	_ =	shalt  }
0x68: {  	_ =	shalt  }
0x69: {  	_ =	shalt  }
0x6a: {  	_ =	shalt  }
0x6b: {  	_ =	shalt  }
0x6c: {  	_ =	shalt  }
0x6d: {  	_ =	shalt  }
0x6e: {  	_ =	shalt  }
0x6f: {  	_ =	shalt  }
0x70: {  	_ =	shalt  }
0x71: {  	_ =	shalt  }
0x72: {  	_ =	shalt  }
0x73: {  	_ =	shalt  }
0x74: {  	_ =	shalt  }
0x75: {  	_ =	shalt  }
0x76: {  	_ =	shalt  }
0x77: {  	_ =	shalt  }
0x78: {  	_ =	shalt  }
0x79: {  	_ =	shalt  }
0x7a: {  	_ =	shalt  }
0x7b: {  	_ =	shalt  }
0x7c: {  	_ =	shalt  }
0x7d: {  	_ =	shalt  }
0x7e: {  	_ =	shalt  }
0x7f: {  	_ =	shalt  }
0x80: {  	_ =	shalt  }
0x81: {  	_ =	shalt  }
0x82: {  	_ =	shalt  }
0x83: {  	_ =	shalt  }
0x84: {  	_ =	shalt  }
0x85: {  	_ =	shalt  }
0x86: {  	_ =	shalt  }
0x87: {  	_ =	shalt  }
.Lfunc_end0:
.L_simem_size_0:
called_computation_lowered:
.L_overlay_start_0:
0x88: {  	s2 =	sld [smem:$0x3FD9]  }
0x89: {  	s3 =	sld [smem:$0x3FFE];
	_ =	sdelay $0x1  }
0x8a: {  	s1 =	srdreg.scid  }
0x8b: {  	s0 =	sand.u32 $0x1, s1  }
0x8c: {  	s17 =	sshll.u32 s0, $0xA;
	s2 =	sadd.s32 s3, s2  }
0x8d: {  	s2 =	sadd.s32 s2, s17  }
0x8e: {  	[smem:$0x3FBB] =	sst s2  }
0x8f: {  	_ = 	snop  }
0x90: {  	s2 =	sld [smem:$0x3FC9]  }
0x91: {  	s18 =	sld [smem:$0x3FC8];
	(tm) =	ssettm $0x1  }
0x92: {  	s4 =	sld [smem:$0x3FFB];
	_ =	sdelay $0x3  }
0x93: {  	_ =	strace s4  }
0x94: {  	s4 =	sld [smem:$0x3FFC];
	_ =	sdelay $0x3  }
0x95: {  	_ =	strace s4  }
0x96: {  	s4 =	sld [smem:$0x3FFD];
	_ =	sdelay $0x3  }
0x97: {  	_ =	strace s4  }
0x98: {  	_ =	strace $0x8FFFFFFF  }
0x99: {  	s19 =	sld [smem:$0x3FDB];
	_ =	sdelay $0x1  }
0x9a: {  	s5 =	simm.s32 $_scs_section_size  }
0x9b: {  	s6 =	simm.s32 $_size__tile_overlayer_lowered;
	s7 =	simm.s32 $_tile_overlayer_lowered  }
0x9c: {  	s22 =	simm.s32 $0x1BFF;
	s21 =	sshll.u32 s7, $0x1;
	s4 =	sadd.s32 s5, s19  }
0x9d: {  	s8 =	simm.s32 $0x0;
	s20 =	sshll.u32 s6, $0x1;
	s6 =	sadd.s32 s21, s4  }
0x9e: {  	[timem:s8], [sflag:s22] =	dma.local [hbm:s6], s20  }
0x9f: {  	_ =	swait.ge [sflag:s22], s20  }
0xa0: {  	s5 =	ssub.s32 $0x0, s20;
	[sflag:s22] =	ssyncset.done $0x0  }
0xa1: {  	[sflag:s22] =	ssyncadd.s32 s5;
	_ =	sdelay $0x1  }
0xa2: {  	s23 =	simm.s32 $0x1B8B  }
0xa3: {  	_ =	swait.ge [sflag:s23], $0x1  }
0xa4: {  	[sflag:s23] =	ssyncset.done $0x0  }
0xa5: {  	s25 =	simm.s32 $0x1B8E;
	s24 =	sld [smem:$0x3FFE];
	[sflag:s23] =	ssyncadd.s32 $0xFFFFFFFF  }
0xa6: {  	s26 =	simm.s32 $execute0_lowered;
	[smem:$0x3FD2] =	sst s25  }
0xa7: {  	s6 =	sshll.u32 s26, $0x1;
	_ =	strace $0x80000046;
	[dreg:$0x1] =	wrdreg $0xFFFFFFFF  }
0xa8: {  	s28 =	simm.s32 $_size_execute0_lowered;
	s4 =	sadd.s32 s4, s6;
	[dreg:$0x0] =	wrdreg $0x0  }
0xa9: {  	s6 =	sshll.u32 s28, $0x1;
	[dreg:$0x2] =	wrdreg s4  }
0xaa: {  	[dreg:$0x3] =	wrdreg s6  }
0xab: {  	[dreg:$0x4] =	wrdreg $0xC0  }
0xac: {  	_ =	task [dreg:s8], $0x5FFFF  }
0xad: {  	[dreg:$0x1] =	wrdreg $0xFFFFFFFF  }
0xae: {  	[dreg:$0x0] =	wrdreg $0x60  }
0xaf: {  	[dreg:$0x2] =	wrdreg s2  }
0xb0: {  	[dreg:$0x3] =	wrdreg s18  }
0xb1: {  	[dreg:$0x4] =	wrdreg s24  }
0xb2: {  	[dreg:$0x5] =	wrdreg $0x9  }
0xb3: {  	_ =	task.clear_ibuf [dreg:s8], $0x6FFFF;
	_ =	strace $0x90000046  }
0xb4: {  	s29 =	simm.s32 $0x9;
	_ =	strace $0x80000048  }
0xb5: {  	_ =	swait.ge [sflag:s29], $0x1  }
0xb6: {  	[sflag:s29] =	ssyncadd.s32 $0xFFFFFFFF  }
0xb7: {  	_ =	strace $0x90000048  }
0xb8: {  	_ =	sfence  }
0xb9: {  	s30 =	sld [smem:$0x0];
	_ =	sdelay $0x2  }
0xba: {  	s31 =	sshll.u32 s1, $0xD;
	s1 =	sshrl.u32 s1, $0x2  }
0xbb: {  	s3 =	sand.u32 $0x4000, s31;
	s1 =	sadd.s32 s1, s30  }
0xbc: {  	s0 =	sor.u32 s3, s0;
	s1 =	sshll.u32 s1, $0x11  }
0xbd: {  	s0 =	sor.u32 s1, s0  }
0xbe: {  	s0 =	sadd.s32 $0x8F2B, s0  }
0xbf: {  	[sflag:s0] =	ssyncadd.remote.s32 $0x1  }
0xc0: {  	_ =	sfence.sel $0xFFFF  }
0xc1: {  	[dreg:$0x0] =	wrdreg $0xFFFFFFFF;
	(pc) =	sbr.abs _section_cstart, $3  }
0xc2: {  	[dreg:$0x1] =	wrdreg $0xFFFFFFFF  }
0xc3: {  	_ =	task.clear_ibuf [dreg:s8], $0x2FFFF;
	_ =	strace $0x9FFFFFFF  }
0xc4: {  	(tm) =	ssettm $0x7FFFFFFF  }
0xc5: {  	_ =	shalt  }
tec
execute0_lowered:
.L_overlay_start_1:
0x0: {  	(tag) =	ssettag $0x1  }
0x1: {  	s3 =	rddreg [dreg:$0x0];
	s1 =	srdreg.scid  }
0x2: {  	s5 =	rddreg [dreg:$0x1];
	s0 =	stileid.u32;
	s22 =	sand.u32 $0x1, s1  }
0x3: {  	s17 =	rddreg [dreg:$0x2];
	s4 =	sshll.u32 s0, $0xA;
	s6 =	sshll.u32 s22, $0x9  }
0x4: {  	s2 =	simm.s32 $0x0;
	s1 =	rddreg [dreg:$0x3];
	s16 =	sor.u32 s6, s4  }
0x5: {  	[smem:$0x7FF] =	sst s2;
	s6 =	sshrl.u32 s16, $0x3  }
0x6: {  	_ =	strace $0x80000047;
	s4 =	sadd.s32 s3, s6;
	s3 =	simm.s32 $0x3  }
0x7: {  	[tilespmem:s2], [sflag:$0x3] =	stream.linear.gather [hbm4b:s4+s2], $0x200, $0x38;
	[tilespmem:$0x10400] =	vst v63  }
0x8: {  	_ =	swait.ge [sflag:s3], $0x200  }
0x9: {  	[sflag:s3] =	ssyncset.done $0x0  }
0xa: {  	s5 =	sadd.s32 s5, s6;
	s6 =	simm.s32 $0x200;
	[sflag:s3] =	ssyncadd.s32 $0xFFFFFE00  }
0xb: {  	[tilespmem:s6], [sflag:$0x3] =	stream.linear.gather [hbm4b:s5+s2], $0x200, $0x38;
	[tilespmem:$0x10400] =	vst v63  }
0xc: {  	_ =	swait.ge [sflag:s3], $0x200  }
0xd: {  	s8 =	simm.s32 $0x80;
	[sflag:s3] =	ssyncset.done $0x0  }
0xe: {  	s9 =	simm.s32 $0x400;
	s7 =	sadd.s32 $0x1C00, s17;
	[sflag:s3] =	ssyncadd.s32 $0xFFFFFE00  }
0xf: {  	[tilespmem:s9], [sflag:$0x1] =	stream.indirect.gather [hbm4b:s7+s8], $0x80, s2, s8, $0xb8;
	[tilespmem:$0x10400] =	vst v63  }
0x10: {  	s10 =	simm.s32 $0x8400  }
0x11: {  	[tilespmem:s10], [sflag:$0x2] =	stream.indirect.gather [hbm4b:s7+s8], $0x80, s6, s8, $0xb8;
	[tilespmem:$0x10400] =	vst v63  }
0x12: {  	s11 =	simm.s32 $0x4400  }
0x13: {  	[tilespmem:s11], [sflag:$0x1] =	stream.indirect.gather [hbm4b:s7+s8], $0x80, s8, s8, $0xb8;
	[tilespmem:$0x10400] =	vst v63  }
0x14: {  	s12 =	simm.s32 $0x280;
	s13 =	simm.s32 $0xC400;
	s14 =	simm.s32 $0x1  }
0x15: {  	[tilespmem:s13], [sflag:$0x2] =	stream.indirect.gather [hbm4b:s7+s8], $0x80, s12, s8, $0xb8;
	[tilespmem:$0x10400] =	vst v63  }
0x16: {  	_ =	swait.ge [sflag:s14], $0x8000  }
0x17: {  	[sflag:s14] =	ssyncset.done $0x0  }
0x18: {  	s15 =	simm.s32 $0x2;
	[sflag:s14] =	ssyncadd.s32 $0xFFFF8000  }
0x19: {  	_ =	swait.ge [sflag:s15], $0x8000  }
0x1a: {  	s23 =	sadd.s32 $0x1001C00, s17;
	s24 =	sshll.u32 s16, $0x4;
	[sflag:s15] =	ssyncset.done $0x0  }
0x1b: {  	s16 =	sadd.s32 s23, s24;
	[sflag:s15] =	ssyncadd.s32 $0xFFFF8000  }
0x1c: {  	[hbm4b:s16+s2] =	stream.linear.scatter [tilespmem:s9], [sflag:$0x3], $0x8000, $0x38;
	[tilespmem:$0x10400] =	vst v63  }
0x1d: {  	_ =	swait.ge [sflag:s3], $0x8000  }
0x1e: {  	s25 =	sadd.s32 $0x1041C00, s17;
	[sflag:s3] =	ssyncset.done $0x0  }
0x1f: {  	s17 =	sadd.s32 s25, s24;
	[sflag:s3] =	ssyncadd.s32 $0xFFFF8000  }
0x20: {  	[hbm4b:s17+s2] =	stream.linear.scatter [tilespmem:s10], [sflag:$0x3], $0x8000, $0x38;
	[tilespmem:$0x10400] =	vst v63  }
0x21: {  	_ =	swait.ge [sflag:s3], $0x8000  }
0x22: {  	[sflag:s3] =	ssyncset.done $0x0  }
0x23: {  	s18 =	simm.s32 $0x100;
	[sflag:s3] =	ssyncadd.s32 $0xFFFF8000  }
0x24: {  	[tilespmem:s9], [sflag:$0x1] =	stream.indirect.gather [hbm4b:s7+s8], $0x80, s18, s8, $0xb8;
	[tilespmem:$0x10400] =	vst v63  }
0x25: {  	s19 =	simm.s32 $0x300  }
0x26: {  	[tilespmem:s10], [sflag:$0x2] =	stream.indirect.gather [hbm4b:s7+s8], $0x80, s19, s8, $0xb8;
	[tilespmem:$0x10400] =	vst v63  }
0x27: {  	s20 =	simm.s32 $0x180  }
0x28: {  	[tilespmem:s11], [sflag:$0x1] =	stream.indirect.gather [hbm4b:s7+s8], $0x80, s20, s8, $0xb8;
	[tilespmem:$0x10400] =	vst v63  }
0x29: {  	s21 =	simm.s32 $0x380  }
0x2a: {  	[tilespmem:s13], [sflag:$0x2] =	stream.indirect.gather [hbm4b:s7+s8], $0x80, s21, s8, $0xb8;
	[tilespmem:$0x10400] =	vst v63  }
0x2b: {  	_ =	swait.ge [sflag:s14], $0x8000  }
0x2c: {  	[sflag:s14] =	ssyncset.done $0x0  }
0x2d: {  	s26 =	ssub.s32 $0x2, s22;
	[sflag:s14] =	ssyncadd.s32 $0xFFFF8000  }
0x2e: {  	s30 =	sshrl.u32 s26, $0x1;
	_ =	swait.ge [sflag:s15], $0x8000  }
0x2f: {  	s26 =	ssub.s32 s26, s30;
	s24 =	sor.u32 $0x1000, s24;
	[sflag:s15] =	ssyncset.done $0x0  }
0x30: {  	s31 =	smax.u32 s26, $0x1;
	s22 =	sadd.s32 s23, s24;
	[sflag:s15] =	ssyncadd.s32 $0xFFFF8000  }
0x31: {  	[hbm4b:s22+s2] =	stream.linear.scatter [tilespmem:s9], [sflag:$0x3], $0x8000, $0x38;
	[tilespmem:$0x10400] =	vst v63  }
0x32: {  	p0 =	sne.s32 s31, $0x1;
	_ =	swait.ge [sflag:s3], $0x8000  }
.Ltmp0:
0x33: {  	[sflag:s3] =	ssyncset.done $0x0;
	(pc) =	sbr.rel @!p0 .LBB2_2-.Ltmp0, $4  }
0x34: {  	s23 =	sadd.s32 s25, s24;
	[sflag:s3] =	ssyncadd.s32 $0xFFFF8000  }
0x35: {  	[hbm4b:s23+s2] =	stream.linear.scatter [tilespmem:s10], [sflag:$0x3], $0x8000, $0x38;
	[tilespmem:$0x10400] =	vst v63  }
0x36: {  	_ =	swait.ge [sflag:s3], $0x8000  }
0x37: {  	s24 =	sadd.s32 $0xFFFFFFFF, s31;
	[sflag:s3] =	ssyncset.done $0x0  }
.LBB2_1:
0x38: {  	p0 =	sne.s32 s24, $0x1;
	s24 =	sadd.s32 $0xFFFFFFFF, s24;
	[sflag:s3] =	ssyncadd.s32 $0xFFFF8000  }
0x39: {  	[tilespmem:s2], [sflag:$0x3] =	stream.linear.gather [hbm4b:s4+s2], $0x200, $0x38;
	[tilespmem:$0x10400] =	vst v63  }
0x3a: {  	_ =	swait.ge [sflag:s3], $0x200  }
0x3b: {  	[sflag:s3] =	ssyncset.done $0x0  }
0x3c: {  	[sflag:s3] =	ssyncadd.s32 $0xFFFFFE00  }
0x3d: {  	[tilespmem:s6], [sflag:$0x3] =	stream.linear.gather [hbm4b:s5+s2], $0x200, $0x38;
	[tilespmem:$0x10400] =	vst v63  }
0x3e: {  	_ =	swait.ge [sflag:s3], $0x200  }
0x3f: {  	[sflag:s3] =	ssyncset.done $0x0  }
0x40: {  	[sflag:s3] =	ssyncadd.s32 $0xFFFFFE00  }
0x41: {  	[tilespmem:s9], [sflag:$0x1] =	stream.indirect.gather [hbm4b:s7+s8], $0x80, s2, s8, $0xb8;
	[tilespmem:$0x10400] =	vst v63  }
0x42: {  	_ = 	snop  }
0x43: {  	[tilespmem:s10], [sflag:$0x2] =	stream.indirect.gather [hbm4b:s7+s8], $0x80, s6, s8, $0xb8;
	[tilespmem:$0x10400] =	vst v63  }
0x44: {  	_ = 	snop  }
0x45: {  	[tilespmem:s11], [sflag:$0x1] =	stream.indirect.gather [hbm4b:s7+s8], $0x80, s8, s8, $0xb8;
	[tilespmem:$0x10400] =	vst v63  }
0x46: {  	_ = 	snop  }
0x47: {  	[tilespmem:s13], [sflag:$0x2] =	stream.indirect.gather [hbm4b:s7+s8], $0x80, s12, s8, $0xb8;
	[tilespmem:$0x10400] =	vst v63  }
0x48: {  	_ =	swait.ge [sflag:s14], $0x8000  }
0x49: {  	[sflag:s14] =	ssyncset.done $0x0  }
0x4a: {  	[sflag:s14] =	ssyncadd.s32 $0xFFFF8000  }
0x4b: {  	_ =	swait.ge [sflag:s15], $0x8000  }
0x4c: {  	[sflag:s15] =	ssyncset.done $0x0  }
0x4d: {  	[sflag:s15] =	ssyncadd.s32 $0xFFFF8000  }
0x4e: {  	[hbm4b:s16+s2] =	stream.linear.scatter [tilespmem:s9], [sflag:$0x3], $0x8000, $0x38;
	[tilespmem:$0x10400] =	vst v63  }
0x4f: {  	_ =	swait.ge [sflag:s3], $0x8000  }
0x50: {  	[sflag:s3] =	ssyncset.done $0x0  }
0x51: {  	[sflag:s3] =	ssyncadd.s32 $0xFFFF8000  }
0x52: {  	[hbm4b:s17+s2] =	stream.linear.scatter [tilespmem:s10], [sflag:$0x3], $0x8000, $0x38;
	[tilespmem:$0x10400] =	vst v63  }
0x53: {  	_ =	swait.ge [sflag:s3], $0x8000  }
0x54: {  	[sflag:s3] =	ssyncset.done $0x0  }
0x55: {  	[sflag:s3] =	ssyncadd.s32 $0xFFFF8000  }
0x56: {  	[tilespmem:s9], [sflag:$0x1] =	stream.indirect.gather [hbm4b:s7+s8], $0x80, s18, s8, $0xb8;
	[tilespmem:$0x10400] =	vst v63  }
0x57: {  	_ = 	snop  }
0x58: {  	[tilespmem:s10], [sflag:$0x2] =	stream.indirect.gather [hbm4b:s7+s8], $0x80, s19, s8, $0xb8;
	[tilespmem:$0x10400] =	vst v63  }
0x59: {  	_ = 	snop  }
0x5a: {  	[tilespmem:s11], [sflag:$0x1] =	stream.indirect.gather [hbm4b:s7+s8], $0x80, s20, s8, $0xb8;
	[tilespmem:$0x10400] =	vst v63  }
0x5b: {  	_ = 	snop  }
0x5c: {  	[tilespmem:s13], [sflag:$0x2] =	stream.indirect.gather [hbm4b:s7+s8], $0x80, s21, s8, $0xb8;
	[tilespmem:$0x10400] =	vst v63  }
0x5d: {  	_ =	swait.ge [sflag:s14], $0x8000  }
0x5e: {  	[sflag:s14] =	ssyncset.done $0x0  }
0x5f: {  	[sflag:s14] =	ssyncadd.s32 $0xFFFF8000  }
0x60: {  	_ =	swait.ge [sflag:s15], $0x8000  }
0x61: {  	[sflag:s15] =	ssyncset.done $0x0  }
0x62: {  	[sflag:s15] =	ssyncadd.s32 $0xFFFF8000  }
0x63: {  	[hbm4b:s22+s2] =	stream.linear.scatter [tilespmem:s9], [sflag:$0x3], $0x8000, $0x38;
	[tilespmem:$0x10400] =	vst v63  }
0x64: {  	_ =	swait.ge [sflag:s3], $0x8000  }
.Ltmp1:
0x65: {  	[sflag:s3] =	ssyncset.done $0x0;
	(pc) =	sbr.rel @p0 .LBB2_1-.Ltmp1, $4  }
0x66: {  	[sflag:s3] =	ssyncadd.s32 $0xFFFF8000  }
0x67: {  	[hbm4b:s23+s2] =	stream.linear.scatter [tilespmem:s10], [sflag:$0x3], $0x8000, $0x38;
	[tilespmem:$0x10400] =	vst v63  }
0x68: {  	_ =	swait.ge [sflag:s3], $0x8000  }
0x69: {  	[sflag:s3] =	ssyncset.done $0x0  }
.LBB2_2:
0x6a: {  	[sflag:s3] =	ssyncadd.s32 $0xFFFF8000  }
0x6b: {  	_ =	sfence.sel $0x180000  }
0x6c: {  	[bflag:$0x0] =	sbarrier.arrive $0xFFFF  }
0x6d: {  	p0 =	sne.s32 s0, $0x0;
	_ =	strace $0x90000047  }
0x6e: {  	s0 =	sadd.s32 @!p0 $0x100000, s1;
	[bflag:$0x2] =	sbarrier.arrive $0xFFFF  }
0x6f: {  	[sflag:s0] =	ssyncadd.tile.s32 @!p0 $0x1;
	_ =	shalt  }
.Lfunc_end2:
_tile_overlayer_lowered:
.L_overlay_start_2:
0x70: {  	(tag) =	ssettag $0x2  }
0x71: {  	s0 =	rddreg [dreg:$0x0];
	s2 =	stileid.u32  }
0x72: {  	s1 =	rddreg [dreg:$0x1];
	p0 =	sne.s32 s2, $0x0  }
0x73: {  	s3 =	rddreg [dreg:$0x2];
	[bflag:$0x3] =	sbarrier.arrive $0xFFFF;
	s2 =	simm.s32 @!p0 $0x1C03  }
0x74: {  	[timem:s3], [sflag:s2] =	dma.local @!p0 [hbm:s0], s1  }
0x75: {  	s0 =	simm.s32 @!p0 $0x3  }
0x76: {  	_ =	swait.ge @!p0 [sflag:s0], s1  }
0x77: {  	s1 =	ssub.s32 @!p0 $0x0, s1;
	[sflag:s0] =	ssyncset.done @!p0 $0x0  }
0x78: {  	[sflag:s0] =	ssyncadd.s32 @!p0 s1  }
0x79: {  	[bflag:$0x3] =	sbarrier.arrive $0xFFFF  }
0x7a: {  	_ =	shalt  }

// kernel: kernel.9.cloned.1.call-start
scs
__scs_entry_jumppad:
0x0: {  	(pc) =	sbr.rel $0x88, $3  }
0x1: {  	(tag) =	ssettag $0x0;
	lr =	simm.s32 $0x1  }
0x2: {  	[smem:$0x3F94] =	sst lr;
	_ =	strace $0xD0000000  }
0x3: {  	_ = 	snop  }
0x4: {  	_ = 	snop  }
0x5: {  	_ = 	snop  }
0x6: {  	_ = 	snop  }
0x7: {  	_ = 	snop  }
__scs_overlays_trampoline_lowered:
0x8: {  	[smem:$0x3FA3] =	sst s0  }
0x9: {  	[smem:$0x3FA4] =	sst s1  }
0xa: {  	[smem:$0x3FA5] =	sst s2  }
0xb: {  	[smem:$0x3FA6] =	sst s3  }
0xc: {  	[smem:$0x3FA7] =	sst s4  }
0xd: {  	[smem:$0x3FA8] =	sst s5  }
0xe: {  	[smem:$0x3FA9] =	sst s6  }
0xf: {  	[smem:$0x3FAA] =	sst s7  }
0x10: {  	[smem:$0x3FAB] =	sst s8  }
0x11: {  	[smem:$0x3FAC] =	sst s9;
	s0 =	simm.s32 @!p0 $0x0  }
0x12: {  	s1 =	sld [smem:$0x3F92];
	s0 =	simm.s32 @p0 $0x1  }
0x13: {  	[smem:$0x3FAD] =	sst s0;
	s0 =	simm.s32 @!p1 $0x0  }
0x14: {  	s2 =	sld [smem:$0x3F91];
	s0 =	simm.s32 @p1 $0x1  }
0x15: {  	[smem:$0x3FAE] =	sst s0;
	s0 =	simm.s32 @!p2 $0x0  }
0x16: {  	s3 =	sld [smem:$0x3FDB];
	s0 =	simm.s32 @p2 $0x1  }
0x17: {  	s4 =	simm.s32 $0x1BF5;
	[smem:$0x3FB0] =	sst s0  }
0x18: {  	s0 =	sld [smem:$0x3F93];
	_ =	swait.ge [sflag:s4], $0x0  }
0x19: {  	s7 =	sld [smem:$0x3F94]  }
0x1a: {  	s8 =	sadd.s32 $0xFFFFE003, lr  }
0x1b: {  	s9 =	sadd.s32 $0xFFFFFEF7, lr;
	s5 =	simm.s32 $0xFFFFFFFF;
	p2 =	slt.u32 s8, $0xFFFFF086  }
0x1c: {  	p1 =	slt.u32 s9, $0xF7A;
	s5 =	simm.s32 @!p2 $0x0  }
0x1d: {  	s5 =	simm.s32 @p1 $0x1;
	p0 =	seq.s32 s7, s2  }
0x1e: {  	s7 =	smul.u32 @!p0 $0xF7A, s2;
	p2 =	seq.s32 @!p0 s5, $0x0  }
0x1f: {  	s9 =	smul.u32 $0xF7A, s1;
	s8 =	simm.s32 @!p0 $0x1BF5;
	p2 =	por !p2, p0  }
0x20: {  	[sflag:s8] =	ssyncset.s32 @!p0 $0xFFFFF086;
	s6 =	sadd.s32 @!p0 s3, s7;
	s7 =	simm.s32 @!p0 $0x108  }
0x21: {  	s3 =	sadd.s32 s3, s9;
	s6 =	sadd.s32 @!p0 $0x88, s6;
	s7 =	simm.s32 @p2 $0x1082  }
0x22: {  	[simem:s7], [sflag:s8] =	dma.local @!p0 [hbm:s6], $0xF7A  }
0x23: {  	s9 =	sor.u32 $0xD0000000, s2;
	s6 =	simm.s32 $0x108;
	_ =	swait.ge @!p0 [sflag:s8], $0x0  }
0x24: {  	s3 =	sadd.s32 $0x88, s3;
	s6 =	simm.s32 @!p1 $0x1082;
	[sflag:s4] =	ssyncset.s32 $0xFFFFF086  }
0x25: {  	[simem:s6], [sflag:s4] =	dma.local [hbm:s3], $0xF7A  }
0x26: {  	[smem:$0x3F94] =	sst s1;
	(tag) =	ssettag s2;
	_ =	strace s9  }
0x27: {  	s1 =	sld [smem:$0x3FA4]  }
0x28: {  	s2 =	sld [smem:$0x3FA5]  }
0x29: {  	s4 =	sld [smem:$0x3FA7]  }
0x2a: {  	p0 =	seq.s32 s5, $0x0;
	s5 =	sld [smem:$0x3FA8]  }
0x2b: {  	s6 =	sld [smem:$0x3FA9]  }
0x2c: {  	s7 =	sld [smem:$0x3FAA]  }
0x2d: {  	s3 =	simm.s32 $0x108;
	s8 =	sld [smem:$0x3FAB]  }
0x2e: {  	s3 =	simm.s32 @!p0 $0x1082;
	s9 =	sld [smem:$0x3FAC]  }
0x2f: {  	lr =	sadd.s32 s0, s3;
	s0 =	sld [smem:$0x3FA3]  }
0x30: {  	s3 =	sld [smem:$0x3FA6]  }
0x31: {  	[smem:$0x3FAF] =	sst s10  }
0x32: {  	s10 =	sld [smem:$0x3FAD];
	_ =	sdelay $0x3  }
0x33: {  	p0 =	seq.s32 s10, $0x1;
	s10 =	sld [smem:$0x3FAF];
	_ =	sdelay $0x3  }
0x34: {  	[smem:$0x3FAF] =	sst s10  }
0x35: {  	s10 =	sld [smem:$0x3FAE];
	_ =	sdelay $0x3  }
0x36: {  	p1 =	seq.s32 s10, $0x1;
	s10 =	sld [smem:$0x3FAF];
	_ =	sdelay $0x3  }
0x37: {  	[smem:$0x3FAF] =	sst s10  }
0x38: {  	s10 =	sld [smem:$0x3FB0]  }
0x39: {  	_ = 	snop;
	(pc) =	sbr.ind lr, $3  }
0x3a: {  	_ = 	snop  }
0x3b: {  	_ = 	snop  }
0x3c: {  	p2 =	seq.s32 s10, $0x1;
	s10 =	sld [smem:$0x3FAF]  }
0x3d: {  	_ =	shalt  }
0x3e: {  	_ =	shalt  }
0x3f: {  	_ =	shalt  }
0x40: {  	_ =	shalt  }
0x41: {  	_ =	shalt  }
0x42: {  	_ =	shalt  }
0x43: {  	_ =	shalt  }
0x44: {  	_ =	shalt  }
0x45: {  	_ =	shalt  }
0x46: {  	_ =	shalt  }
0x47: {  	_ =	shalt  }
0x48: {  	_ =	shalt  }
0x49: {  	_ =	shalt  }
0x4a: {  	_ =	shalt  }
0x4b: {  	_ =	shalt  }
0x4c: {  	_ =	shalt  }
0x4d: {  	_ =	shalt  }
0x4e: {  	_ =	shalt  }
0x4f: {  	_ =	shalt  }
0x50: {  	_ =	shalt  }
0x51: {  	_ =	shalt  }
0x52: {  	_ =	shalt  }
0x53: {  	_ =	shalt  }
0x54: {  	_ =	shalt  }
0x55: {  	_ =	shalt  }
0x56: {  	_ =	shalt  }
0x57: {  	_ =	shalt  }
0x58: {  	_ =	shalt  }
0x59: {  	_ =	shalt  }
0x5a: {  	_ =	shalt  }
0x5b: {  	_ =	shalt  }
0x5c: {  	_ =	shalt  }
0x5d: {  	_ =	shalt  }
0x5e: {  	_ =	shalt  }
0x5f: {  	_ =	shalt  }
0x60: {  	_ =	shalt  }
0x61: {  	_ =	shalt  }
0x62: {  	_ =	shalt  }
0x63: {  	_ =	shalt  }
0x64: {  	_ =	shalt  }
0x65: {  	_ =	shalt  }
0x66: {  	_ =	shalt  }
0x67: {  	_ =	shalt  }
0x68: {  	_ =	shalt  }
0x69: {  	_ =	shalt  }
0x6a: {  	_ =	shalt  }
0x6b: {  	_ =	shalt  }
0x6c: {  	_ =	shalt  }
0x6d: {  	_ =	shalt  }
0x6e: {  	_ =	shalt  }
0x6f: {  	_ =	shalt  }
0x70: {  	_ =	shalt  }
0x71: {  	_ =	shalt  }
0x72: {  	_ =	shalt  }
0x73: {  	_ =	shalt  }
0x74: {  	_ =	shalt  }
0x75: {  	_ =	shalt  }
0x76: {  	_ =	shalt  }
0x77: {  	_ =	shalt  }
0x78: {  	_ =	shalt  }
0x79: {  	_ =	shalt  }
0x7a: {  	_ =	shalt  }
0x7b: {  	_ =	shalt  }
0x7c: {  	_ =	shalt  }
0x7d: {  	_ =	shalt  }
0x7e: {  	_ =	shalt  }
0x7f: {  	_ =	shalt  }
0x80: {  	_ =	shalt  }
0x81: {  	_ =	shalt  }
0x82: {  	_ =	shalt  }
0x83: {  	_ =	shalt  }
0x84: {  	_ =	shalt  }
0x85: {  	_ =	shalt  }
0x86: {  	_ =	shalt  }
0x87: {  	_ =	shalt  }
.Lfunc_end0:
.L_simem_size_0:
called_computation.1_lowered:
.L_overlay_start_0:
0x88: {  	s2 =	sld [smem:$0x3FD9]  }
0x89: {  	s3 =	sld [smem:$0x3FFE];
	_ =	sdelay $0x1  }
0x8a: {  	s1 =	srdreg.scid  }
0x8b: {  	s0 =	sand.u32 $0x1, s1  }
0x8c: {  	s17 =	sshll.u32 s0, $0xA;
	s2 =	sadd.s32 s3, s2  }
0x8d: {  	s2 =	sadd.s32 s2, s17  }
0x8e: {  	[smem:$0x3FBB] =	sst s2  }
0x8f: {  	_ = 	snop  }
0x90: {  	s4 =	sld [smem:$0x3FC9]  }
0x91: {  	s5 =	sld [smem:$0x3FC8]  }
0x92: {  	s18 =	sld [smem:$0x3FD0];
	(tm) =	ssettm $0x1  }
0x93: {  	s19 =	sld [smem:$0x3FFB];
	_ =	sdelay $0x3  }
0x94: {  	_ =	strace s19  }
0x95: {  	s2 =	sld [smem:$0x3FFC];
	_ =	sdelay $0x3  }
0x96: {  	_ =	strace s2  }
0x97: {  	s2 =	sld [smem:$0x3FFD];
	_ =	sdelay $0x3  }
0x98: {  	_ =	strace s2  }
0x99: {  	_ =	strace $0x8FFFFFFF  }
0x9a: {  	s20 =	sld [smem:$0x3FDB];
	_ =	sdelay $0x1  }
0x9b: {  	s6 =	simm.s32 $_scs_section_size  }
0x9c: {  	s7 =	simm.s32 $_size__tile_overlayer_lowered;
	s8 =	simm.s32 $_tile_overlayer_lowered  }
0x9d: {  	s9 =	simm.s32 $0x1BFF;
	s21 =	sshll.u32 s8, $0x1;
	s6 =	sadd.s32 s6, s20  }
0x9e: {  	s22 =	simm.s32 $0x0;
	s7 =	sshll.u32 s7, $0x1;
	s8 =	sadd.s32 s21, s6  }
0x9f: {  	[timem:s22], [sflag:s9] =	dma.local [hbm:s8], s7  }
0xa0: {  	_ =	swait.ge [sflag:s9], s7  }
0xa1: {  	s7 =	ssub.s32 $0x0, s7;
	[sflag:s9] =	ssyncset.done $0x0  }
0xa2: {  	[sflag:s9] =	ssyncadd.s32 s7;
	_ =	sdelay $0x1  }
0xa3: {  	s23 =	simm.s32 $0x1B8B  }
0xa4: {  	_ =	swait.ge [sflag:s23], $0x1  }
0xa5: {  	[sflag:s23] =	ssyncset.done $0x0  }
0xa6: {  	[sflag:s23] =	ssyncadd.s32 $0xFFFFFFFF  }
0xa7: {  	s7 =	sld [smem:$0x0]  }
0xa8: {  	s8 =	sand.u32 $0xFFFFFFFE, s1  }
0xa9: {  	p0 =	sne.s32 s1, s8  }
0xaa: {  	s8 =	sshll.u32 @p0 s8, $0xE  }
0xab: {  	s8 =	sadd.s32 @p0 $0x11B8D, s8;
	s9 =	sshll.u32 @p0 s7, $0x11  }
0xac: {  	s8 =	sor.u32 @p0 s9, s8  }
0xad: {  	[sflag:s8] =	ssyncadd.remote.s32 @p0 $0x1;
	_ =	sdelay $0x1  }
0xae: {  	s8 =	simm.s32 @p0 $0x1B8D  }
0xaf: {  	_ =	swait.eq @p0 [sflag:s8], $0x1  }
0xb0: {  	[sflag:s8] =	ssyncadd.s32 @p0 $0xFFFFFFFF  }
0xb1: {  	s9 =	sshll.u32 @!p0 s1, $0xE  }
0xb2: {  	s9 =	sor.u32 @!p0 $0x4000, s9;
	s8 =	simm.s32 @!p0 $0x1B8D  }
0xb3: {  	s7 =	sshll.u32 @!p0 s7, $0x11;
	s9 =	sadd.s32 @!p0 $0x11B8D, s9;
	_ =	swait.eq @!p0 [sflag:s8], $0x1  }
0xb4: {  	s7 =	sor.u32 @!p0 s7, s9;
	[sflag:s8] =	ssyncadd.s32 @!p0 $0xFFFFFFFF  }
0xb5: {  	s25 =	simm.s32 $0x1B8E;
	s24 =	sld [smem:$0x3FFE];
	[sflag:s7] =	ssyncadd.remote.s32 @!p0 $0x1  }
0xb6: {  	s26 =	simm.s32 $execute0_lowered;
	[smem:$0x3FD2] =	sst s25  }
0xb7: {  	s8 =	sshll.u32 s26, $0x1;
	_ =	strace $0x80000049;
	[dreg:$0x1] =	wrdreg $0xFFFFFFFF  }
0xb8: {  	s28 =	simm.s32 $_size_execute0_lowered;
	s6 =	sadd.s32 s6, s8;
	[dreg:$0x0] =	wrdreg $0x0  }
0xb9: {  	s8 =	sshll.u32 s28, $0x1;
	[dreg:$0x2] =	wrdreg s6  }
0xba: {  	[dreg:$0x3] =	wrdreg s8  }
0xbb: {  	[dreg:$0x4] =	wrdreg $0xC0  }
0xbc: {  	_ =	task [dreg:s22], $0x5FFFF  }
0xbd: {  	[dreg:$0x1] =	wrdreg $0xFFFFFFFF  }
0xbe: {  	[dreg:$0x0] =	wrdreg $0x60  }
0xbf: {  	[dreg:$0x2] =	wrdreg s4  }
0xc0: {  	[dreg:$0x3] =	wrdreg s5  }
0xc1: {  	[dreg:$0x4] =	wrdreg s24  }
0xc2: {  	[dreg:$0x5] =	wrdreg s18  }
0xc3: {  	[dreg:$0x6] =	wrdreg $0xA  }
0xc4: {  	_ =	task.clear_ibuf [dreg:s22], $0x7FFFF;
	_ =	strace $0x90000049  }
0xc5: {  	s29 =	simm.s32 $0xA;
	_ =	strace $0x8000004B  }
0xc6: {  	_ =	swait.ge [sflag:s29], $0x1  }
0xc7: {  	[sflag:s29] =	ssyncadd.s32 $0xFFFFFFFF  }
0xc8: {  	_ =	strace $0x9000004B  }
0xc9: {  	_ =	sfence  }
0xca: {  	s30 =	sld [smem:$0x0];
	_ =	sdelay $0x2  }
0xcb: {  	s31 =	sshll.u32 s1, $0xD;
	s1 =	sshrl.u32 s1, $0x2  }
0xcc: {  	s4 =	sand.u32 $0x4000, s31;
	s1 =	sadd.s32 s1, s30  }
0xcd: {  	s0 =	sor.u32 s4, s0;
	s1 =	sshll.u32 s1, $0x11  }
0xce: {  	s0 =	sor.u32 s1, s0  }
0xcf: {  	s0 =	sadd.s32 $0x8F2B, s0  }
0xd0: {  	[sflag:s0] =	ssyncadd.remote.s32 $0x1  }
0xd1: {  	_ =	sfence.sel $0xFFFF  }
0xd2: {  	[dreg:$0x0] =	wrdreg $0xFFFFFFFF;
	(pc) =	sbr.abs _section_cstart, $3  }
0xd3: {  	[dreg:$0x1] =	wrdreg $0xFFFFFFFF  }
0xd4: {  	_ =	task.clear_ibuf [dreg:s22], $0x2FFFF;
	_ =	strace $0x9FFFFFFF  }
0xd5: {  	(tm) =	ssettm $0x7FFFFFFF  }
tec
execute0_lowered:
.L_overlay_start_1:
0x0: {  	(tag) =	ssettag $0x1  }
0x1: {  	s3 =	rddreg [dreg:$0x0]  }
0x2: {  	s5 =	rddreg [dreg:$0x1]  }
0x3: {  	s26 =	rddreg [dreg:$0x2]  }
0x4: {  	s25 =	rddreg [dreg:$0x3];
	s2 =	srdreg.scid  }
0x5: {  	s0 =	rddreg [dreg:$0x4];
	s1 =	stileid.u32;
	s28 =	sand.u32 $0x1, s2  }
0x6: {  	s2 =	simm.s32 $0x0;
	s4 =	sshll.u32 s1, $0x7;
	s6 =	sshll.u32 s28, $0x6  }
0x7: {  	[smem:$0x7FF] =	sst s2;
	s29 =	sor.u32 s6, s4  }
0x8: {  	_ =	strace $0x8000004A;
	s4 =	sadd.s32 s3, s29;
	s3 =	simm.s32 $0x3  }
0x9: {  	[tilespmem:s2], [sflag:$0x3] =	stream.linear.gather [hbm4b:s4+s2], $0x200, $0x38;
	[tilespmem:$0x800] =	vst v63  }
0xa: {  	_ =	swait.ge [sflag:s3], $0x200  }
0xb: {  	[sflag:s3] =	ssyncset.done $0x0  }
0xc: {  	s6 =	simm.s32 $0x200;
	s5 =	sadd.s32 s5, s29;
	[sflag:s3] =	ssyncadd.s32 $0xFFFFFE00  }
0xd: {  	[tilespmem:s6], [sflag:$0x3] =	stream.linear.gather [hbm4b:s5+s2], $0x200, $0x38;
	[tilespmem:$0x800] =	vst v63  }
0xe: {  	_ =	swait.ge [sflag:s3], $0x200  }
0xf: {  	s8 =	simm.s32 $0x80;
	[sflag:s3] =	ssyncset.done $0x0  }
0x10: {  	s9 =	simm.s32 $0x400;
	s7 =	sadd.s32 $0x10A0600, s26;
	[sflag:s3] =	ssyncadd.s32 $0xFFFFFE00  }
0x11: {  	[tilespmem:s9], [sflag:$0x1] =	stream.indirect.gather [hbm4b:s7+s8], $0x1, s2, s8, $0xb8;
	[tilespmem:$0x800] =	vst v63  }
0x12: {  	s11 =	simm.s32 $0x600;
	s10 =	sadd.s32 $0x1081C00, s26  }
0x13: {  	[tilespmem:s11], [sflag:$0x2] =	stream.indirect.gather [hbm4b:s10+s8], $0x1, s6, s8, $0xb8;
	[tilespmem:$0x800] =	vst v63  }
0x14: {  	s12 =	simm.s32 $0x480  }
0x15: {  	[tilespmem:s12], [sflag:$0x1] =	stream.indirect.gather [hbm4b:s7+s8], $0x1, s8, s8, $0xb8;
	[tilespmem:$0x800] =	vst v63  }
0x16: {  	s13 =	simm.s32 $0x280;
	s14 =	simm.s32 $0x680  }
0x17: {  	[tilespmem:s14], [sflag:$0x2] =	stream.indirect.gather [hbm4b:s10+s8], $0x1, s13, s8, $0xb8;
	[tilespmem:$0x800] =	vst v63  }
0x18: {  	s15 =	simm.s32 $0x100;
	s16 =	simm.s32 $0x500  }
0x19: {  	[tilespmem:s16], [sflag:$0x1] =	stream.indirect.gather [hbm4b:s7+s8], $0x1, s15, s8, $0xb8;
	[tilespmem:$0x800] =	vst v63  }
0x1a: {  	s17 =	simm.s32 $0x300;
	s18 =	simm.s32 $0x700  }
0x1b: {  	[tilespmem:s18], [sflag:$0x2] =	stream.indirect.gather [hbm4b:s10+s8], $0x1, s17, s8, $0xb8;
	[tilespmem:$0x800] =	vst v63  }
0x1c: {  	s19 =	simm.s32 $0x180;
	s20 =	simm.s32 $0x580  }
0x1d: {  	[tilespmem:s20], [sflag:$0x1] =	stream.indirect.gather [hbm4b:s7+s8], $0x1, s19, s8, $0xb8;
	[tilespmem:$0x800] =	vst v63  }
0x1e: {  	s21 =	simm.s32 $0x380;
	s22 =	simm.s32 $0x780;
	s23 =	simm.s32 $0x1  }
0x1f: {  	[tilespmem:s22], [sflag:$0x2] =	stream.indirect.gather [hbm4b:s10+s8], $0x1, s21, s8, $0xb8;
	[tilespmem:$0x800] =	vst v63  }
0x20: {  	_ =	swait.ge [sflag:s23], $0x200  }
0x21: {  	[sflag:s23] =	ssyncset.done $0x0  }
0x22: {  	s24 =	simm.s32 $0x2;
	s28 =	ssub.s32 $0x2, s28;
	[sflag:s23] =	ssyncadd.s32 $0xFFFFFE00  }
0x23: {  	s30 =	sshrl.u32 s28, $0x1;
	_ =	swait.ge [sflag:s24], $0x200  }
0x24: {  	s28 =	ssub.s32 s28, s30;
	[sflag:s24] =	ssyncset.done $0x0  }
0x25: {  	s25 =	sadd.s32 s25, s29;
	s28 =	smax.u32 s28, $0x1;
	[sflag:s24] =	ssyncadd.s32 $0xFFFFFE00  }
0x26: {  	[hbm4b:s25+s2] =	stream.linear.scatter [tilespmem:s9], [sflag:$0x3], $0x200, $0x38;
	[tilespmem:$0x800] =	vst v63  }
0x27: {  	p0 =	sne.s32 s28, $0x1;
	_ =	swait.ge [sflag:s3], $0x200  }
.Ltmp0:
0x28: {  	s26 =	sadd.s32 s29, s26;
	[sflag:s3] =	ssyncset.done $0x0;
	(pc) =	sbr.rel @!p0 .LBB2_2-.Ltmp0, $4  }
0x29: {  	s26 =	sadd.s32 $0x10BF000, s26;
	[sflag:s3] =	ssyncadd.s32 $0xFFFFFE00  }
0x2a: {  	[hbm4b:s26+s2] =	stream.linear.scatter [tilespmem:s11], [sflag:$0x3], $0x200, $0x38;
	[tilespmem:$0x800] =	vst v63  }
0x2b: {  	_ =	swait.ge [sflag:s3], $0x200  }
0x2c: {  	s28 =	sadd.s32 $0xFFFFFFFF, s28;
	[sflag:s3] =	ssyncset.done $0x0  }
.LBB2_1:
0x2d: {  	p0 =	sne.s32 s28, $0x1;
	s28 =	sadd.s32 $0xFFFFFFFF, s28;
	[sflag:s3] =	ssyncadd.s32 $0xFFFFFE00  }
0x2e: {  	[tilespmem:s2], [sflag:$0x3] =	stream.linear.gather [hbm4b:s4+s2], $0x200, $0x38;
	[tilespmem:$0x800] =	vst v63  }
0x2f: {  	_ =	swait.ge [sflag:s3], $0x200  }
0x30: {  	[sflag:s3] =	ssyncset.done $0x0  }
0x31: {  	[sflag:s3] =	ssyncadd.s32 $0xFFFFFE00  }
0x32: {  	[tilespmem:s6], [sflag:$0x3] =	stream.linear.gather [hbm4b:s5+s2], $0x200, $0x38;
	[tilespmem:$0x800] =	vst v63  }
0x33: {  	_ =	swait.ge [sflag:s3], $0x200  }
0x34: {  	[sflag:s3] =	ssyncset.done $0x0  }
0x35: {  	[sflag:s3] =	ssyncadd.s32 $0xFFFFFE00  }
0x36: {  	[tilespmem:s9], [sflag:$0x1] =	stream.indirect.gather [hbm4b:s7+s8], $0x1, s2, s8, $0xb8;
	[tilespmem:$0x800] =	vst v63  }
0x37: {  	_ = 	snop  }
0x38: {  	[tilespmem:s11], [sflag:$0x2] =	stream.indirect.gather [hbm4b:s10+s8], $0x1, s6, s8, $0xb8;
	[tilespmem:$0x800] =	vst v63  }
0x39: {  	_ = 	snop  }
0x3a: {  	[tilespmem:s12], [sflag:$0x1] =	stream.indirect.gather [hbm4b:s7+s8], $0x1, s8, s8, $0xb8;
	[tilespmem:$0x800] =	vst v63  }
0x3b: {  	_ = 	snop  }
0x3c: {  	[tilespmem:s14], [sflag:$0x2] =	stream.indirect.gather [hbm4b:s10+s8], $0x1, s13, s8, $0xb8;
	[tilespmem:$0x800] =	vst v63  }
0x3d: {  	_ = 	snop  }
0x3e: {  	[tilespmem:s16], [sflag:$0x1] =	stream.indirect.gather [hbm4b:s7+s8], $0x1, s15, s8, $0xb8;
	[tilespmem:$0x800] =	vst v63  }
0x3f: {  	_ = 	snop  }
0x40: {  	[tilespmem:s18], [sflag:$0x2] =	stream.indirect.gather [hbm4b:s10+s8], $0x1, s17, s8, $0xb8;
	[tilespmem:$0x800] =	vst v63  }
0x41: {  	_ = 	snop  }
0x42: {  	[tilespmem:s20], [sflag:$0x1] =	stream.indirect.gather [hbm4b:s7+s8], $0x1, s19, s8, $0xb8;
	[tilespmem:$0x800] =	vst v63  }
0x43: {  	_ = 	snop  }
0x44: {  	[tilespmem:s22], [sflag:$0x2] =	stream.indirect.gather [hbm4b:s10+s8], $0x1, s21, s8, $0xb8;
	[tilespmem:$0x800] =	vst v63  }
0x45: {  	_ =	swait.ge [sflag:s23], $0x200  }
0x46: {  	[sflag:s23] =	ssyncset.done $0x0  }
0x47: {  	[sflag:s23] =	ssyncadd.s32 $0xFFFFFE00  }
0x48: {  	_ =	swait.ge [sflag:s24], $0x200  }
0x49: {  	[sflag:s24] =	ssyncset.done $0x0  }
0x4a: {  	[sflag:s24] =	ssyncadd.s32 $0xFFFFFE00  }
0x4b: {  	[hbm4b:s25+s2] =	stream.linear.scatter [tilespmem:s9], [sflag:$0x3], $0x200, $0x38;
	[tilespmem:$0x800] =	vst v63  }
0x4c: {  	_ =	swait.ge [sflag:s3], $0x200  }
.Ltmp1:
0x4d: {  	[sflag:s3] =	ssyncset.done $0x0;
	(pc) =	sbr.rel @p0 .LBB2_1-.Ltmp1, $4  }
0x4e: {  	[sflag:s3] =	ssyncadd.s32 $0xFFFFFE00  }
0x4f: {  	[hbm4b:s26+s2] =	stream.linear.scatter [tilespmem:s11], [sflag:$0x3], $0x200, $0x38;
	[tilespmem:$0x800] =	vst v63  }
0x50: {  	_ =	swait.ge [sflag:s3], $0x200  }
0x51: {  	[sflag:s3] =	ssyncset.done $0x0  }
.LBB2_2:
0x52: {  	[sflag:s3] =	ssyncadd.s32 $0xFFFFFE00  }
0x53: {  	_ =	sfence.sel $0x180000  }
0x54: {  	[bflag:$0x0] =	sbarrier.arrive $0xFFFF  }
0x55: {  	p0 =	sne.s32 s1, $0x0;
	_ =	strace $0x9000004A  }
0x56: {  	s0 =	sadd.s32 @!p0 $0x100000, s0;
	[bflag:$0x2] =	sbarrier.arrive $0xFFFF  }
0x57: {  	[sflag:s0] =	ssyncadd.tile.s32 @!p0 $0x1;
	_ =	shalt  }
.Lfunc_end2:
_tile_overlayer_lowered:
.L_overlay_start_2:
0x58: {  	(tag) =	ssettag $0x2  }
0x59: {  	s0 =	rddreg [dreg:$0x0];
	s2 =	stileid.u32  }
0x5a: {  	s1 =	rddreg [dreg:$0x1];
	p0 =	sne.s32 s2, $0x0  }
0x5b: {  	s3 =	rddreg [dreg:$0x2];
	[bflag:$0x3] =	sbarrier.arrive $0xFFFF;
	s2 =	simm.s32 @!p0 $0x1C03  }
0x5c: {  	[timem:s3], [sflag:s2] =	dma.local @!p0 [hbm:s0], s1  }
0x5d: {  	s0 =	simm.s32 @!p0 $0x3  }
0x5e: {  	_ =	swait.ge @!p0 [sflag:s0], s1  }
0x5f: {  	s1 =	ssub.s32 @!p0 $0x0, s1;
	[sflag:s0] =	ssyncset.done @!p0 $0x0  }
0x60: {  	[sflag:s0] =	ssyncadd.s32 @!p0 s1  }
0x61: {  	[bflag:$0x3] =	sbarrier.arrive $0xFFFF  }
0x62: {  	_ =	shalt  }

</sc_bundles>
